<compile_context>
chip_gen: v7x
topology: tpu7x:2x2x1
jax: 0.10.2.dev20260603
libtpu: 0.0.44.dev20260713+nightly
codegen_flags: <defaults>
</compile_context>

<pallas_src>
import functools

import jax
import jax.numpy as jnp
from jax.experimental import pallas as pl
from jax.experimental.pallas import tpu as pltpu

CHUNK = 8


def _gates(z, c, units):
    i = jax.nn.sigmoid(z[:, :units])
    f = jax.nn.sigmoid(z[:, units:2 * units])
    g = jnp.tanh(z[:, 2 * units:3 * units])
    o = jax.nn.sigmoid(z[:, 3 * units:])
    c_new = f * c + i * g
    h_new = o * jnp.tanh(c_new)
    return h_new, c_new


def _body(codes_ref, emb_ref, w1_ref, b1_ref, u1_ref,
          w2_ref, b2_ref, u2_ref, wout_ref, bout_ref, out_ref,
          z1_scr, z2_scr, h1_scr, hs_scr,
          h1c_scr, c1c_scr, h2c_scr, c2c_scr,
          *, bsz, nc, units):
    k = pl.program_id(0)

    @pl.when(k == 0)
    def _init():
        h1c_scr[...] = jnp.zeros_like(h1c_scr)
        c1c_scr[...] = jnp.zeros_like(c1c_scr)
        h2c_scr[...] = jnp.zeros_like(h2c_scr)
        c2c_scr[...] = jnp.zeros_like(c2c_scr)

    hin = h1_scr[...].reshape(CHUNK * bsz, units).astype(jnp.bfloat16)
    z2_scr[...] = (jnp.dot(hin, w2_ref[...], preferred_element_type=jnp.float32)
                   + b2_ref[...]).reshape(CHUNK, bsz, 4 * units)

    codes = codes_ref[...]
    onehot = (codes[:, :, None]
              == jax.lax.broadcasted_iota(jnp.int32, (CHUNK, bsz, nc), 2)
              ).astype(jnp.float32)
    x = jnp.dot(onehot.reshape(CHUNK * bsz, nc), emb_ref[...],
                preferred_element_type=jnp.float32)
    z1_scr[...] = (jnp.dot(x, w1_ref[...], preferred_element_type=jnp.float32)
                   + b1_ref[...]).reshape(CHUNK, bsz, 4 * units)

    h1 = h1c_scr[...]
    c1 = c1c_scr[...]
    h2 = h2c_scr[...]
    c2 = c2c_scr[...]
    u1 = u1_ref[...]
    u2 = u2_ref[...]
    for j in range(CHUNK):
        za = z1_scr[j] + jnp.dot(h1.astype(jnp.bfloat16), u1,
                                 preferred_element_type=jnp.float32)
        h1, c1 = _gates(za, c1, units)
        h1_scr[j] = h1
        zb = z2_scr[j] + jnp.dot(h2.astype(jnp.bfloat16), u2,
                                 preferred_element_type=jnp.float32)
        h2, c2 = _gates(zb, c2, units)
        hs_scr[j] = h2
    h1c_scr[...] = h1
    c1c_scr[...] = c1

    @pl.when(k > 0)
    def _commit2():
        h2c_scr[...] = h2
        c2c_scr[...] = c2

    hflat = hs_scr[...].reshape(CHUNK * bsz, units).astype(jnp.bfloat16)
    out_ref[...] = (jnp.dot(hflat, wout_ref[...],
                            preferred_element_type=jnp.float32)
                    + bout_ref[...]).reshape(CHUNK, bsz, nc)


def kernel(codes, emb, W1, U1, b1, W2, U2, b2, Wout, bout):
    bsz, t = codes.shape
    nc, emb_dim = emb.shape
    units = U1.shape[0]
    h4 = 4 * units
    nblk = t // CHUNK

    codes_t = codes.T
    b1r = b1.reshape(1, h4)
    b2r = b2.reshape(1, h4)
    boutr = bout.reshape(1, nc)
    U1b = U1.astype(jnp.bfloat16)
    U2b = U2.astype(jnp.bfloat16)
    W2b = W2.astype(jnp.bfloat16)
    Woutb = Wout.astype(jnp.bfloat16)

    fixed = lambda i: (0, 0)
    logits_t = pl.pallas_call(
        functools.partial(_body, bsz=bsz, nc=nc, units=units),
        grid=(nblk + 1,),
        in_specs=[
            pl.BlockSpec((CHUNK, bsz), lambda i: (jnp.minimum(i, nblk - 1), 0)),
            pl.BlockSpec((nc, emb_dim), fixed),
            pl.BlockSpec((emb_dim, h4), fixed),
            pl.BlockSpec((1, h4), fixed),
            pl.BlockSpec((units, h4), fixed),
            pl.BlockSpec((units, h4), fixed),
            pl.BlockSpec((1, h4), fixed),
            pl.BlockSpec((units, h4), fixed),
            pl.BlockSpec((units, nc), fixed),
            pl.BlockSpec((1, nc), fixed),
        ],
        out_specs=pl.BlockSpec((CHUNK, bsz, nc),
                               lambda i: (jnp.maximum(i - 1, 0), 0, 0)),
        out_shape=jax.ShapeDtypeStruct((t, bsz, nc), jnp.float32),
        scratch_shapes=[
            pltpu.VMEM((CHUNK, bsz, h4), jnp.float32),
            pltpu.VMEM((CHUNK, bsz, h4), jnp.float32),
            pltpu.VMEM((CHUNK, bsz, units), jnp.float32),
            pltpu.VMEM((CHUNK, bsz, units), jnp.float32),
            pltpu.VMEM((bsz, units), jnp.float32),
            pltpu.VMEM((bsz, units), jnp.float32),
            pltpu.VMEM((bsz, units), jnp.float32),
            pltpu.VMEM((bsz, units), jnp.float32),
        ],
    )(codes_t, emb, W1, b1r, U1b, W2b, b2r, U2b, Woutb, boutr)

    return jnp.swapaxes(logits_t, 0, 1)

# --- scband reference (transcript-rebuilt; emitter-appended) ---
"""Pipeline reference for scband-generator-41523743817972 (READ-ONLY COPY).

The authoritative reference and input builder live on the scoring server;
editing this copy changes nothing except your own understanding.
"""

import jax, jax.numpy as jnp
import numpy as np


def _lstm(x, W, U, b):
    # x: [B, T, D]; keras gate order i, f, g(c), o; sigmoid recurrent act, tanh act
    xT = jnp.swapaxes(x, 0, 1)  # [T, B, D]
    B = x.shape[0]
    units = U.shape[0]
    h0 = jnp.zeros((B, units), x.dtype)
    c0 = jnp.zeros((B, units), x.dtype)

    def step(carry, xt):
        h, c = carry
        z = xt @ W + h @ U + b
        i, f, g, o = jnp.split(z, 4, axis=-1)
        i = jax.nn.sigmoid(i)
        f = jax.nn.sigmoid(f)
        g = jnp.tanh(g)
        o = jax.nn.sigmoid(o)
        c_new = f * c + i * g
        h_new = o * jnp.tanh(c_new)
        return (h_new, c_new), h_new

    (_, _), hs = jax.lax.scan(step, (h0, c0), xT)
    return jnp.swapaxes(hs, 0, 1)  # [B, T, units]


def setup_inputs(seed: int = 0) -> dict:
    key = jax.random.key(seed)
    ks = jax.random.split(key, 10)
    B, T = 16, 1024
    num_codes, emb_dim, units = 512, 64, 1024
    codes = jax.random.randint(ks[0], (B, T), 0, num_codes, dtype=jnp.int32)
    emb = jax.random.normal(ks[1], (num_codes, emb_dim), jnp.float32) * 0.05
    W1 = jax.random.normal(ks[2], (emb_dim, 4 * units), jnp.float32) * 0.05
    U1 = jax.random.normal(ks[3], (units, 4 * units), jnp.float32) * 0.02
    b1 = jnp.zeros((4 * units,), jnp.float32)
    W2 = jax.random.normal(ks[4], (units, 4 * units), jnp.float32) * 0.02
    U2 = jax.random.normal(ks[5], (units, 4 * units), jnp.float32) * 0.02
    b2 = jnp.zeros((4 * units,), jnp.float32)
    Wout = jax.random.normal(ks[6], (units, num_codes), jnp.float32) * 0.02
    bout = jnp.zeros((num_codes,), jnp.float32)
    return {"codes": codes, "emb": emb, "W1": W1, "U1": U1, "b1": b1,
            "W2": W2, "U2": U2, "b2": b2, "Wout": Wout, "bout": bout}


def reference(codes, emb, W1, U1, b1, W2, U2, b2, Wout, bout):
    # Embedding lookup (gather)
    x = jnp.take(emb, codes, axis=0)  # [B, T, emb_dim]
    # 2-stacked LSTM
    h1 = _lstm(x, W1, U1, b1)
    h2 = _lstm(h1, W2, U2, b2)
    # Conv1D with kernel size 1 == pointwise dense over channels
    logits = h2 @ Wout + bout  # [B, T, num_codes]
    return logits

if __name__ == "__main__":
    import jax
    _d = setup_inputs()
    print(jax.jit(kernel)(*tuple(_d.values())))

</pallas_src>

<mosaic_0001>
module attributes {stable_mosaic.version = 14 : i64} {
  func.func @_body(%arg0: i32, %arg1: memref<8x16xi32, #tpu.memory_space<vmem>>, %arg2: memref<512x64xf32, #tpu.memory_space<vmem>>, %arg3: memref<64x4096xf32, #tpu.memory_space<vmem>>, %arg4: memref<1x4096xf32, #tpu.memory_space<vmem>>, %arg5: memref<1024x4096xbf16, #tpu.memory_space<vmem>>, %arg6: memref<1024x4096xbf16, #tpu.memory_space<vmem>>, %arg7: memref<1x4096xf32, #tpu.memory_space<vmem>>, %arg8: memref<1024x4096xbf16, #tpu.memory_space<vmem>>, %arg9: memref<1024x512xbf16, #tpu.memory_space<vmem>>, %arg10: memref<1x512xf32, #tpu.memory_space<vmem>>, %arg11: memref<8x16x512xf32, #tpu.memory_space<vmem>>, %arg12: memref<8x16x4096xf32, #tpu.memory_space<vmem>>, %arg13: memref<8x16x4096xf32, #tpu.memory_space<vmem>>, %arg14: memref<8x16x1024xf32, #tpu.memory_space<vmem>>, %arg15: memref<8x16x1024xf32, #tpu.memory_space<vmem>>, %arg16: memref<16x1024xf32, #tpu.memory_space<vmem>>, %arg17: memref<16x1024xf32, #tpu.memory_space<vmem>>, %arg18: memref<16x1024xf32, #tpu.memory_space<vmem>>, %arg19: memref<16x1024xf32, #tpu.memory_space<vmem>>) attributes {dimension_semantics = [#tpu.dimension_semantics<arbitrary>], iteration_bounds = array<i64: 129>, scalar_prefetch = 0 : i64, scratch_operands = 8 : i64, tpu.core_type = #tpu.core_type<tc>, window_params = [{transform_indices = @transform_0, window_bounds = array<i64: 8, 16>}, {pipeline_mode = #tpu.pipeline_mode<synchronous>, transform_indices = @transform_1, window_bounds = array<i64: 512, 64>}, {pipeline_mode = #tpu.pipeline_mode<synchronous>, transform_indices = @transform_2, window_bounds = array<i64: 64, 4096>}, {pipeline_mode = #tpu.pipeline_mode<synchronous>, transform_indices = @transform_3, window_bounds = array<i64: 1, 4096>}, {pipeline_mode = #tpu.pipeline_mode<synchronous>, transform_indices = @transform_4, window_bounds = array<i64: 1024, 4096>}, {pipeline_mode = #tpu.pipeline_mode<synchronous>, transform_indices = @transform_5, window_bounds = array<i64: 1024, 4096>}, {pipeline_mode = #tpu.pipeline_mode<synchronous>, transform_indices = @transform_6, window_bounds = array<i64: 1, 4096>}, {pipeline_mode = #tpu.pipeline_mode<synchronous>, transform_indices = @transform_7, window_bounds = array<i64: 1024, 4096>}, {pipeline_mode = #tpu.pipeline_mode<synchronous>, transform_indices = @transform_8, window_bounds = array<i64: 1024, 512>}, {pipeline_mode = #tpu.pipeline_mode<synchronous>, transform_indices = @transform_9, window_bounds = array<i64: 1, 512>}, {transform_indices = @transform_10, window_bounds = array<i64: 8, 16, 512>}]} {
    %eq3A = arith.constant 0 : i32
    %eq3A_0 = arith.cmpi eq, %arg0, %eq3A : i32
    %convert_element_type3A = arith.extui %eq3A_0 : i1 to i32
    %cond3A = arith.constant 0 : i32
    %cond3A_1 = arith.cmpi ne, %convert_element_type3A, %cond3A : i32
    scf.if %cond3A_1 {
      %broadcast_in_dim3A_779 = arith.constant 0.000000e+00 : f32
      %broadcast_in_dim3A_780 = vector.broadcast %broadcast_in_dim3A_779 : f32 to vector<16x1024xf32>
      %swap3A_781 = arith.constant 0 : index
      %swap3A_782 = arith.constant 0 : index
      %swap3A_783 = vector.load %arg16[%swap3A_781, %swap3A_782] : memref<16x1024xf32, #tpu.memory_space<vmem>>, vector<16x1024xf32>
      tpu.vector_store %arg16[%swap3A_781, %swap3A_782], %broadcast_in_dim3A_780 {strides = array<i32>} : memref<16x1024xf32, #tpu.memory_space<vmem>>, vector<16x1024xf32>,
      %broadcast_in_dim3A_784 = arith.constant 0.000000e+00 : f32
      %broadcast_in_dim3A_785 = vector.broadcast %broadcast_in_dim3A_784 : f32 to vector<16x1024xf32>
      %swap3A_786 = arith.constant 0 : index
      %swap3A_787 = arith.constant 0 : index
      %swap3A_788 = vector.load %arg17[%swap3A_786, %swap3A_787] : memref<16x1024xf32, #tpu.memory_space<vmem>>, vector<16x1024xf32>
      tpu.vector_store %arg17[%swap3A_786, %swap3A_787], %broadcast_in_dim3A_785 {strides = array<i32>} : memref<16x1024xf32, #tpu.memory_space<vmem>>, vector<16x1024xf32>,
      %broadcast_in_dim3A_789 = arith.constant 0.000000e+00 : f32
      %broadcast_in_dim3A_790 = vector.broadcast %broadcast_in_dim3A_789 : f32 to vector<16x1024xf32>
      %swap3A_791 = arith.constant 0 : index
      %swap3A_792 = arith.constant 0 : index
      %swap3A_793 = vector.load %arg18[%swap3A_791, %swap3A_792] : memref<16x1024xf32, #tpu.memory_space<vmem>>, vector<16x1024xf32>
      tpu.vector_store %arg18[%swap3A_791, %swap3A_792], %broadcast_in_dim3A_790 {strides = array<i32>} : memref<16x1024xf32, #tpu.memory_space<vmem>>, vector<16x1024xf32>,
      %broadcast_in_dim3A_794 = arith.constant 0.000000e+00 : f32
      %broadcast_in_dim3A_795 = vector.broadcast %broadcast_in_dim3A_794 : f32 to vector<16x1024xf32>
      %swap3A_796 = arith.constant 0 : index
      %swap3A_797 = arith.constant 0 : index
      %swap3A_798 = vector.load %arg19[%swap3A_796, %swap3A_797] : memref<16x1024xf32, #tpu.memory_space<vmem>>, vector<16x1024xf32>
      tpu.vector_store %arg19[%swap3A_796, %swap3A_797], %broadcast_in_dim3A_795 {strides = array<i32>} : memref<16x1024xf32, #tpu.memory_space<vmem>>, vector<16x1024xf32>,
    } else {
    }
    %get3A = arith.constant 0 : index
    %get3A_2 = arith.constant 0 : index
    %get3A_3 = arith.constant 0 : index
    %get3A_4 = vector.load %arg14[%get3A, %get3A_2, %get3A_3] : memref<8x16x1024xf32, #tpu.memory_space<vmem>>, vector<8x16x1024xf32>
    %reshape3A = vector.shape_cast %get3A_4 : vector<8x16x1024xf32> to vector<128x1024xf32>
    %convert_element_type3A_5 = arith.truncf %reshape3A : vector<128x1024xf32> to vector<128x1024xbf16>
    %get3A_6 = arith.constant 0 : index
    %get3A_7 = arith.constant 0 : index
    %get3A_8 = vector.load %arg6[%get3A_6, %get3A_7] : memref<1024x4096xbf16, #tpu.memory_space<vmem>>, vector<1024x4096xbf16>
    %dot_general3A = arith.constant dense<0.000000e+00> : vector<128x4096xf32>
    %dot_general3A_9 = tpu.matmul %convert_element_type3A_5, %get3A_8, %dot_general3A {dimension_numbers = #tpu.dot_dimension_numbers<[1], [0], [0], [1], [0, 0, 1, 1], [], []>, transpose_lhs_hint = false} : vector<128x1024xbf16>, vector<1024x4096xbf16>, vector<128x4096xf32> -> vector<128x4096xf32>
    %get3A_10 = arith.constant 0 : index
    %get3A_11 = arith.constant 0 : index
    %get3A_12 = vector.load %arg7[%get3A_10, %get3A_11] : memref<1x4096xf32, #tpu.memory_space<vmem>>, vector<1x4096xf32>
    %add3A = vector.broadcast %get3A_12 : vector<1x4096xf32> to vector<128x4096xf32>
    %add3A_13 = arith.addf %dot_general3A_9, %add3A : vector<128x4096xf32>
    %reshape3A_14 = vector.shape_cast %add3A_13 : vector<128x4096xf32> to vector<8x16x4096xf32>
    %swap3A = arith.constant 0 : index
    %swap3A_15 = arith.constant 0 : index
    %swap3A_16 = arith.constant 0 : index
    %swap3A_17 = vector.load %arg13[%swap3A, %swap3A_15, %swap3A_16] : memref<8x16x4096xf32, #tpu.memory_space<vmem>>, vector<8x16x4096xf32>
    tpu.vector_store %arg13[%swap3A, %swap3A_15, %swap3A_16], %reshape3A_14 {strides = array<i32>} : memref<8x16x4096xf32, #tpu.memory_space<vmem>>, vector<8x16x4096xf32>,
    %get3A_18 = arith.constant 0 : index
    %get3A_19 = arith.constant 0 : index
    %get3A_20 = vector.load %arg1[%get3A_18, %get3A_19] : memref<8x16xi32, #tpu.memory_space<vmem>>, vector<8x16xi32>
    %broadcast_in_dim3A = vector.shape_cast %get3A_20 : vector<8x16xi32> to vector<8x16x1xi32>
    %iota3A = tpu.iota {dimensions = array<i32: 2>} : vector<8x16x512xi32>
    %eq3A_21 = vector.broadcast %broadcast_in_dim3A : vector<8x16x1xi32> to vector<8x16x512xi32>
    %eq3A_22 = arith.cmpi eq, %eq3A_21, %iota3A : vector<8x16x512xi32>
    %convert_element_type3A_23 = arith.extui %eq3A_22 : vector<8x16x512xi1> to vector<8x16x512xi32>
    %convert_element_type3A_24 = arith.sitofp %convert_element_type3A_23 : vector<8x16x512xi32> to vector<8x16x512xf32>
    %reshape3A_25 = vector.shape_cast %convert_element_type3A_24 : vector<8x16x512xf32> to vector<128x512xf32>
    %get3A_26 = arith.constant 0 : index
    %get3A_27 = arith.constant 0 : index
    %get3A_28 = vector.load %arg2[%get3A_26, %get3A_27] : memref<512x64xf32, #tpu.memory_space<vmem>>, vector<512x64xf32>
    %dot_general3A_29 = arith.constant dense<0.000000e+00> : vector<128x64xf32>
    %dot_general3A_30 = tpu.matmul %reshape3A_25, %get3A_28, %dot_general3A_29 {dimension_numbers = #tpu.dot_dimension_numbers<[1], [0], [0], [1], [0, 0, 1, 1], [], []>, transpose_lhs_hint = false} : vector<128x512xf32>, vector<512x64xf32>, vector<128x64xf32> -> vector<128x64xf32>
    %get3A_31 = arith.constant 0 : index
    %get3A_32 = arith.constant 0 : index
    %get3A_33 = vector.load %arg3[%get3A_31, %get3A_32] : memref<64x4096xf32, #tpu.memory_space<vmem>>, vector<64x4096xf32>
    %dot_general3A_34 = arith.constant dense<0.000000e+00> : vector<128x4096xf32>
    %dot_general3A_35 = tpu.matmul %dot_general3A_30, %get3A_33, %dot_general3A_34 {dimension_numbers = #tpu.dot_dimension_numbers<[1], [0], [0], [1], [0, 0, 1, 1], [], []>, transpose_lhs_hint = false} : vector<128x64xf32>, vector<64x4096xf32>, vector<128x4096xf32> -> vector<128x4096xf32>
    %get3A_36 = arith.constant 0 : index
    %get3A_37 = arith.constant 0 : index
    %get3A_38 = vector.load %arg4[%get3A_36, %get3A_37] : memref<1x4096xf32, #tpu.memory_space<vmem>>, vector<1x4096xf32>
    %add3A_39 = vector.broadcast %get3A_38 : vector<1x4096xf32> to vector<128x4096xf32>
    %add3A_40 = arith.addf %dot_general3A_35, %add3A_39 : vector<128x4096xf32>
    %reshape3A_41 = vector.shape_cast %add3A_40 : vector<128x4096xf32> to vector<8x16x4096xf32>
    %swap3A_42 = arith.constant 0 : index
    %swap3A_43 = arith.constant 0 : index
    %swap3A_44 = arith.constant 0 : index
    %swap3A_45 = vector.load %arg12[%swap3A_42, %swap3A_43, %swap3A_44] : memref<8x16x4096xf32, #tpu.memory_space<vmem>>, vector<8x16x4096xf32>
    tpu.vector_store %arg12[%swap3A_42, %swap3A_43, %swap3A_44], %reshape3A_41 {strides = array<i32>} : memref<8x16x4096xf32, #tpu.memory_space<vmem>>, vector<8x16x4096xf32>,
    %get3A_46 = arith.constant 0 : index
    %get3A_47 = arith.constant 0 : index
    %get3A_48 = vector.load %arg16[%get3A_46, %get3A_47] : memref<16x1024xf32, #tpu.memory_space<vmem>>, vector<16x1024xf32>
    %get3A_49 = arith.constant 0 : index
    %get3A_50 = arith.constant 0 : index
    %get3A_51 = vector.load %arg17[%get3A_49, %get3A_50] : memref<16x1024xf32, #tpu.memory_space<vmem>>, vector<16x1024xf32>
    %get3A_52 = arith.constant 0 : index
    %get3A_53 = arith.constant 0 : index
    %get3A_54 = vector.load %arg18[%get3A_52, %get3A_53] : memref<16x1024xf32, #tpu.memory_space<vmem>>, vector<16x1024xf32>
    %get3A_55 = arith.constant 0 : index
    %get3A_56 = arith.constant 0 : index
    %get3A_57 = vector.load %arg19[%get3A_55, %get3A_56] : memref<16x1024xf32, #tpu.memory_space<vmem>>, vector<16x1024xf32>
    %get3A_58 = arith.constant 0 : index
    %get3A_59 = arith.constant 0 : index
    %get3A_60 = vector.load %arg5[%get3A_58, %get3A_59] : memref<1024x4096xbf16, #tpu.memory_space<vmem>>, vector<1024x4096xbf16>
    %get3A_61 = arith.constant 0 : index
    %get3A_62 = arith.constant 0 : index
    %get3A_63 = vector.load %arg8[%get3A_61, %get3A_62] : memref<1024x4096xbf16, #tpu.memory_space<vmem>>, vector<1024x4096xbf16>
    %get3A_64 = arith.constant 0 : index
    %get3A_65 = arith.constant 0 : index
    %get3A_66 = arith.constant 0 : index
    %get3A_67 = vector.load %arg12[%get3A_64, %get3A_65, %get3A_66] : memref<8x16x4096xf32, #tpu.memory_space<vmem>>, vector<1x16x4096xf32>
    %get3A_68 = vector.shape_cast %get3A_67 : vector<1x16x4096xf32> to vector<16x4096xf32>
    %convert_element_type3A_69 = arith.truncf %get3A_48 : vector<16x1024xf32> to vector<16x1024xbf16>
    %dot_general3A_70 = arith.constant dense<0.000000e+00> : vector<16x4096xf32>
    %dot_general3A_71 = tpu.matmul %convert_element_type3A_69, %get3A_60, %dot_general3A_70 {dimension_numbers = #tpu.dot_dimension_numbers<[1], [0], [0], [1], [0, 0, 1, 1], [], []>, transpose_lhs_hint = false} : vector<16x1024xbf16>, vector<1024x4096xbf16>, vector<16x4096xf32> -> vector<16x4096xf32>
    %add3A_72 = arith.addf %get3A_68, %dot_general3A_71 : vector<16x4096xf32>
    %slice3A = vector.extract_strided_slice %add3A_72 {offsets = [0, 0], sizes = [16, 1024], strides = [1, 1]} : vector<16x4096xf32> to vector<16x1024xf32>
    %logistic3A = arith.negf %slice3A : vector<16x1024xf32>
    %logistic3A_73 = math.exp %logistic3A : vector<16x1024xf32>
    %logistic3A_74 = arith.constant 1.000000e+00 : f32
    %logistic3A_75 = vector.broadcast %logistic3A_74 : f32 to vector<16x1024xf32>
    %logistic3A_76 = arith.addf %logistic3A_75, %logistic3A_73 : vector<16x1024xf32>
    %logistic3A_77 = arith.divf %logistic3A_75, %logistic3A_76 : vector<16x1024xf32>
    %slice3A_78 = vector.extract_strided_slice %add3A_72 {offsets = [0, 1024], sizes = [16, 1024], strides = [1, 1]} : vector<16x4096xf32> to vector<16x1024xf32>
    %logistic3A_79 = arith.negf %slice3A_78 : vector<16x1024xf32>
    %logistic3A_80 = math.exp %logistic3A_79 : vector<16x1024xf32>
    %logistic3A_81 = arith.constant 1.000000e+00 : f32
    %logistic3A_82 = vector.broadcast %logistic3A_81 : f32 to vector<16x1024xf32>
    %logistic3A_83 = arith.addf %logistic3A_82, %logistic3A_80 : vector<16x1024xf32>
    %logistic3A_84 = arith.divf %logistic3A_82, %logistic3A_83 : vector<16x1024xf32>
    %slice3A_85 = vector.extract_strided_slice %add3A_72 {offsets = [0, 2048], sizes = [16, 1024], strides = [1, 1]} : vector<16x4096xf32> to vector<16x1024xf32>
    %tanh3A = math.tanh %slice3A_85 : vector<16x1024xf32>
    %slice3A_86 = vector.extract_strided_slice %add3A_72 {offsets = [0, 3072], sizes = [16, 1024], strides = [1, 1]} : vector<16x4096xf32> to vector<16x1024xf32>
    %logistic3A_87 = arith.negf %slice3A_86 : vector<16x1024xf32>
    %logistic3A_88 = math.exp %logistic3A_87 : vector<16x1024xf32>
    %logistic3A_89 = arith.constant 1.000000e+00 : f32
    %logistic3A_90 = vector.broadcast %logistic3A_89 : f32 to vector<16x1024xf32>
    %logistic3A_91 = arith.addf %logistic3A_90, %logistic3A_88 : vector<16x1024xf32>
    %logistic3A_92 = arith.divf %logistic3A_90, %logistic3A_91 : vector<16x1024xf32>
    %mul3A = arith.mulf %logistic3A_84, %get3A_51 : vector<16x1024xf32>
    %mul3A_93 = arith.mulf %logistic3A_77, %tanh3A : vector<16x1024xf32>
    %add3A_94 = arith.addf %mul3A, %mul3A_93 : vector<16x1024xf32>
    %tanh3A_95 = math.tanh %add3A_94 : vector<16x1024xf32>
    %mul3A_96 = arith.mulf %logistic3A_92, %tanh3A_95 : vector<16x1024xf32>
    %swap3A_97 = arith.constant 0 : index
    %swap3A_98 = arith.constant 0 : index
    %swap3A_99 = arith.constant 0 : index
    %swap3A_100 = vector.load %arg14[%swap3A_97, %swap3A_98, %swap3A_99] : memref<8x16x1024xf32, #tpu.memory_space<vmem>>, vector<1x16x1024xf32>
    %swap3A_101 = vector.shape_cast %swap3A_100 : vector<1x16x1024xf32> to vector<16x1024xf32>
    %swap3A_102 = vector.shape_cast %mul3A_96 : vector<16x1024xf32> to vector<1x16x1024xf32>
    tpu.vector_store %arg14[%swap3A_97, %swap3A_98, %swap3A_99], %swap3A_102 {strides = array<i32>} : memref<8x16x1024xf32, #tpu.memory_space<vmem>>, vector<1x16x1024xf32>,
    %get3A_103 = arith.constant 0 : index
    %get3A_104 = arith.constant 0 : index
    %get3A_105 = arith.constant 0 : index
    %get3A_106 = vector.load %arg13[%get3A_103, %get3A_104, %get3A_105] : memref<8x16x4096xf32, #tpu.memory_space<vmem>>, vector<1x16x4096xf32>
    %get3A_107 = vector.shape_cast %get3A_106 : vector<1x16x4096xf32> to vector<16x4096xf32>
    %convert_element_type3A_108 = arith.truncf %get3A_54 : vector<16x1024xf32> to vector<16x1024xbf16>
    %dot_general3A_109 = arith.constant dense<0.000000e+00> : vector<16x4096xf32>
    %dot_general3A_110 = tpu.matmul %convert_element_type3A_108, %get3A_63, %dot_general3A_109 {dimension_numbers = #tpu.dot_dimension_numbers<[1], [0], [0], [1], [0, 0, 1, 1], [], []>, transpose_lhs_hint = false} : vector<16x1024xbf16>, vector<1024x4096xbf16>, vector<16x4096xf32> -> vector<16x4096xf32>
    %add3A_111 = arith.addf %get3A_107, %dot_general3A_110 : vector<16x4096xf32>
    %slice3A_112 = vector.extract_strided_slice %add3A_111 {offsets = [0, 0], sizes = [16, 1024], strides = [1, 1]} : vector<16x4096xf32> to vector<16x1024xf32>
    %logistic3A_113 = arith.negf %slice3A_112 : vector<16x1024xf32>
    %logistic3A_114 = math.exp %logistic3A_113 : vector<16x1024xf32>
    %logistic3A_115 = arith.constant 1.000000e+00 : f32
    %logistic3A_116 = vector.broadcast %logistic3A_115 : f32 to vector<16x1024xf32>
    %logistic3A_117 = arith.addf %logistic3A_116, %logistic3A_114 : vector<16x1024xf32>
    %logistic3A_118 = arith.divf %logistic3A_116, %logistic3A_117 : vector<16x1024xf32>
    %slice3A_119 = vector.extract_strided_slice %add3A_111 {offsets = [0, 1024], sizes = [16, 1024], strides = [1, 1]} : vector<16x4096xf32> to vector<16x1024xf32>
    %logistic3A_120 = arith.negf %slice3A_119 : vector<16x1024xf32>
    %logistic3A_121 = math.exp %logistic3A_120 : vector<16x1024xf32>
    %logistic3A_122 = arith.constant 1.000000e+00 : f32
    %logistic3A_123 = vector.broadcast %logistic3A_122 : f32 to vector<16x1024xf32>
    %logistic3A_124 = arith.addf %logistic3A_123, %logistic3A_121 : vector<16x1024xf32>
    %logistic3A_125 = arith.divf %logistic3A_123, %logistic3A_124 : vector<16x1024xf32>
    %slice3A_126 = vector.extract_strided_slice %add3A_111 {offsets = [0, 2048], sizes = [16, 1024], strides = [1, 1]} : vector<16x4096xf32> to vector<16x1024xf32>
    %tanh3A_127 = math.tanh %slice3A_126 : vector<16x1024xf32>
    %slice3A_128 = vector.extract_strided_slice %add3A_111 {offsets = [0, 3072], sizes = [16, 1024], strides = [1, 1]} : vector<16x4096xf32> to vector<16x1024xf32>
    %logistic3A_129 = arith.negf %slice3A_128 : vector<16x1024xf32>
    %logistic3A_130 = math.exp %logistic3A_129 : vector<16x1024xf32>
    %logistic3A_131 = arith.constant 1.000000e+00 : f32
    %logistic3A_132 = vector.broadcast %logistic3A_131 : f32 to vector<16x1024xf32>
    %logistic3A_133 = arith.addf %logistic3A_132, %logistic3A_130 : vector<16x1024xf32>
    %logistic3A_134 = arith.divf %logistic3A_132, %logistic3A_133 : vector<16x1024xf32>
    %mul3A_135 = arith.mulf %logistic3A_125, %get3A_57 : vector<16x1024xf32>
    %mul3A_136 = arith.mulf %logistic3A_118, %tanh3A_127 : vector<16x1024xf32>
    %add3A_137 = arith.addf %mul3A_135, %mul3A_136 : vector<16x1024xf32>
    %tanh3A_138 = math.tanh %add3A_137 : vector<16x1024xf32>
    %mul3A_139 = arith.mulf %logistic3A_134, %tanh3A_138 : vector<16x1024xf32>
    %swap3A_140 = arith.constant 0 : index
    %swap3A_141 = arith.constant 0 : index
    %swap3A_142 = arith.constant 0 : index
    %swap3A_143 = vector.load %arg15[%swap3A_140, %swap3A_141, %swap3A_142] : memref<8x16x1024xf32, #tpu.memory_space<vmem>>, vector<1x16x1024xf32>
    %swap3A_144 = vector.shape_cast %swap3A_143 : vector<1x16x1024xf32> to vector<16x1024xf32>
    %swap3A_145 = vector.shape_cast %mul3A_139 : vector<16x1024xf32> to vector<1x16x1024xf32>
    tpu.vector_store %arg15[%swap3A_140, %swap3A_141, %swap3A_142], %swap3A_145 {strides = array<i32>} : memref<8x16x1024xf32, #tpu.memory_space<vmem>>, vector<1x16x1024xf32>,
    %get3A_146 = arith.constant 1 : index
    %get3A_147 = arith.constant 0 : index
    %get3A_148 = arith.constant 0 : index
    %get3A_149 = vector.load %arg12[%get3A_146, %get3A_147, %get3A_148] : memref<8x16x4096xf32, #tpu.memory_space<vmem>>, vector<1x16x4096xf32>
    %get3A_150 = vector.shape_cast %get3A_149 : vector<1x16x4096xf32> to vector<16x4096xf32>
    %convert_element_type3A_151 = arith.truncf %mul3A_96 : vector<16x1024xf32> to vector<16x1024xbf16>
    %dot_general3A_152 = arith.constant dense<0.000000e+00> : vector<16x4096xf32>
    %dot_general3A_153 = tpu.matmul %convert_element_type3A_151, %get3A_60, %dot_general3A_152 {dimension_numbers = #tpu.dot_dimension_numbers<[1], [0], [0], [1], [0, 0, 1, 1], [], []>, transpose_lhs_hint = false} : vector<16x1024xbf16>, vector<1024x4096xbf16>, vector<16x4096xf32> -> vector<16x4096xf32>
    %add3A_154 = arith.addf %get3A_150, %dot_general3A_153 : vector<16x4096xf32>
    %slice3A_155 = vector.extract_strided_slice %add3A_154 {offsets = [0, 0], sizes = [16, 1024], strides = [1, 1]} : vector<16x4096xf32> to vector<16x1024xf32>
    %logistic3A_156 = arith.negf %slice3A_155 : vector<16x1024xf32>
    %logistic3A_157 = math.exp %logistic3A_156 : vector<16x1024xf32>
    %logistic3A_158 = arith.constant 1.000000e+00 : f32
    %logistic3A_159 = vector.broadcast %logistic3A_158 : f32 to vector<16x1024xf32>
    %logistic3A_160 = arith.addf %logistic3A_159, %logistic3A_157 : vector<16x1024xf32>
    %logistic3A_161 = arith.divf %logistic3A_159, %logistic3A_160 : vector<16x1024xf32>
    %slice3A_162 = vector.extract_strided_slice %add3A_154 {offsets = [0, 1024], sizes = [16, 1024], strides = [1, 1]} : vector<16x4096xf32> to vector<16x1024xf32>
    %logistic3A_163 = arith.negf %slice3A_162 : vector<16x1024xf32>
    %logistic3A_164 = math.exp %logistic3A_163 : vector<16x1024xf32>
    %logistic3A_165 = arith.constant 1.000000e+00 : f32
    %logistic3A_166 = vector.broadcast %logistic3A_165 : f32 to vector<16x1024xf32>
    %logistic3A_167 = arith.addf %logistic3A_166, %logistic3A_164 : vector<16x1024xf32>
    %logistic3A_168 = arith.divf %logistic3A_166, %logistic3A_167 : vector<16x1024xf32>
    %slice3A_169 = vector.extract_strided_slice %add3A_154 {offsets = [0, 2048], sizes = [16, 1024], strides = [1, 1]} : vector<16x4096xf32> to vector<16x1024xf32>
    %tanh3A_170 = math.tanh %slice3A_169 : vector<16x1024xf32>
    %slice3A_171 = vector.extract_strided_slice %add3A_154 {offsets = [0, 3072], sizes = [16, 1024], strides = [1, 1]} : vector<16x4096xf32> to vector<16x1024xf32>
    %logistic3A_172 = arith.negf %slice3A_171 : vector<16x1024xf32>
    %logistic3A_173 = math.exp %logistic3A_172 : vector<16x1024xf32>
    %logistic3A_174 = arith.constant 1.000000e+00 : f32
    %logistic3A_175 = vector.broadcast %logistic3A_174 : f32 to vector<16x1024xf32>
    %logistic3A_176 = arith.addf %logistic3A_175, %logistic3A_173 : vector<16x1024xf32>
    %logistic3A_177 = arith.divf %logistic3A_175, %logistic3A_176 : vector<16x1024xf32>
    %mul3A_178 = arith.mulf %logistic3A_168, %add3A_94 : vector<16x1024xf32>
    %mul3A_179 = arith.mulf %logistic3A_161, %tanh3A_170 : vector<16x1024xf32>
    %add3A_180 = arith.addf %mul3A_178, %mul3A_179 : vector<16x1024xf32>
    %tanh3A_181 = math.tanh %add3A_180 : vector<16x1024xf32>
    %mul3A_182 = arith.mulf %logistic3A_177, %tanh3A_181 : vector<16x1024xf32>
    %swap3A_183 = arith.constant 1 : index
    %swap3A_184 = arith.constant 0 : index
    %swap3A_185 = arith.constant 0 : index
    %swap3A_186 = vector.load %arg14[%swap3A_183, %swap3A_184, %swap3A_185] : memref<8x16x1024xf32, #tpu.memory_space<vmem>>, vector<1x16x1024xf32>
    %swap3A_187 = vector.shape_cast %swap3A_186 : vector<1x16x1024xf32> to vector<16x1024xf32>
    %swap3A_188 = vector.shape_cast %mul3A_182 : vector<16x1024xf32> to vector<1x16x1024xf32>
    tpu.vector_store %arg14[%swap3A_183, %swap3A_184, %swap3A_185], %swap3A_188 {strides = array<i32>} : memref<8x16x1024xf32, #tpu.memory_space<vmem>>, vector<1x16x1024xf32>,
    %get3A_189 = arith.constant 1 : index
    %get3A_190 = arith.constant 0 : index
    %get3A_191 = arith.constant 0 : index
    %get3A_192 = vector.load %arg13[%get3A_189, %get3A_190, %get3A_191] : memref<8x16x4096xf32, #tpu.memory_space<vmem>>, vector<1x16x4096xf32>
    %get3A_193 = vector.shape_cast %get3A_192 : vector<1x16x4096xf32> to vector<16x4096xf32>
    %convert_element_type3A_194 = arith.truncf %mul3A_139 : vector<16x1024xf32> to vector<16x1024xbf16>
    %dot_general3A_195 = arith.constant dense<0.000000e+00> : vector<16x4096xf32>
    %dot_general3A_196 = tpu.matmul %convert_element_type3A_194, %get3A_63, %dot_general3A_195 {dimension_numbers = #tpu.dot_dimension_numbers<[1], [0], [0], [1], [0, 0, 1, 1], [], []>, transpose_lhs_hint = false} : vector<16x1024xbf16>, vector<1024x4096xbf16>, vector<16x4096xf32> -> vector<16x4096xf32>
    %add3A_197 = arith.addf %get3A_193, %dot_general3A_196 : vector<16x4096xf32>
    %slice3A_198 = vector.extract_strided_slice %add3A_197 {offsets = [0, 0], sizes = [16, 1024], strides = [1, 1]} : vector<16x4096xf32> to vector<16x1024xf32>
    %logistic3A_199 = arith.negf %slice3A_198 : vector<16x1024xf32>
    %logistic3A_200 = math.exp %logistic3A_199 : vector<16x1024xf32>
    %logistic3A_201 = arith.constant 1.000000e+00 : f32
    %logistic3A_202 = vector.broadcast %logistic3A_201 : f32 to vector<16x1024xf32>
    %logistic3A_203 = arith.addf %logistic3A_202, %logistic3A_200 : vector<16x1024xf32>
    %logistic3A_204 = arith.divf %logistic3A_202, %logistic3A_203 : vector<16x1024xf32>
    %slice3A_205 = vector.extract_strided_slice %add3A_197 {offsets = [0, 1024], sizes = [16, 1024], strides = [1, 1]} : vector<16x4096xf32> to vector<16x1024xf32>
    %logistic3A_206 = arith.negf %slice3A_205 : vector<16x1024xf32>
    %logistic3A_207 = math.exp %logistic3A_206 : vector<16x1024xf32>
    %logistic3A_208 = arith.constant 1.000000e+00 : f32
    %logistic3A_209 = vector.broadcast %logistic3A_208 : f32 to vector<16x1024xf32>
    %logistic3A_210 = arith.addf %logistic3A_209, %logistic3A_207 : vector<16x1024xf32>
    %logistic3A_211 = arith.divf %logistic3A_209, %logistic3A_210 : vector<16x1024xf32>
    %slice3A_212 = vector.extract_strided_slice %add3A_197 {offsets = [0, 2048], sizes = [16, 1024], strides = [1, 1]} : vector<16x4096xf32> to vector<16x1024xf32>
    %tanh3A_213 = math.tanh %slice3A_212 : vector<16x1024xf32>
    %slice3A_214 = vector.extract_strided_slice %add3A_197 {offsets = [0, 3072], sizes = [16, 1024], strides = [1, 1]} : vector<16x4096xf32> to vector<16x1024xf32>
    %logistic3A_215 = arith.negf %slice3A_214 : vector<16x1024xf32>
    %logistic3A_216 = math.exp %logistic3A_215 : vector<16x1024xf32>
    %logistic3A_217 = arith.constant 1.000000e+00 : f32
    %logistic3A_218 = vector.broadcast %logistic3A_217 : f32 to vector<16x1024xf32>
    %logistic3A_219 = arith.addf %logistic3A_218, %logistic3A_216 : vector<16x1024xf32>
    %logistic3A_220 = arith.divf %logistic3A_218, %logistic3A_219 : vector<16x1024xf32>
    %mul3A_221 = arith.mulf %logistic3A_211, %add3A_137 : vector<16x1024xf32>
    %mul3A_222 = arith.mulf %logistic3A_204, %tanh3A_213 : vector<16x1024xf32>
    %add3A_223 = arith.addf %mul3A_221, %mul3A_222 : vector<16x1024xf32>
    %tanh3A_224 = math.tanh %add3A_223 : vector<16x1024xf32>
    %mul3A_225 = arith.mulf %logistic3A_220, %tanh3A_224 : vector<16x1024xf32>
    %swap3A_226 = arith.constant 1 : index
    %swap3A_227 = arith.constant 0 : index
    %swap3A_228 = arith.constant 0 : index
    %swap3A_229 = vector.load %arg15[%swap3A_226, %swap3A_227, %swap3A_228] : memref<8x16x1024xf32, #tpu.memory_space<vmem>>, vector<1x16x1024xf32>
    %swap3A_230 = vector.shape_cast %swap3A_229 : vector<1x16x1024xf32> to vector<16x1024xf32>
    %swap3A_231 = vector.shape_cast %mul3A_225 : vector<16x1024xf32> to vector<1x16x1024xf32>
    tpu.vector_store %arg15[%swap3A_226, %swap3A_227, %swap3A_228], %swap3A_231 {strides = array<i32>} : memref<8x16x1024xf32, #tpu.memory_space<vmem>>, vector<1x16x1024xf32>,
    %get3A_232 = arith.constant 2 : index
    %get3A_233 = arith.constant 0 : index
    %get3A_234 = arith.constant 0 : index
    %get3A_235 = vector.load %arg12[%get3A_232, %get3A_233, %get3A_234] : memref<8x16x4096xf32, #tpu.memory_space<vmem>>, vector<1x16x4096xf32>
    %get3A_236 = vector.shape_cast %get3A_235 : vector<1x16x4096xf32> to vector<16x4096xf32>
    %convert_element_type3A_237 = arith.truncf %mul3A_182 : vector<16x1024xf32> to vector<16x1024xbf16>
    %dot_general3A_238 = arith.constant dense<0.000000e+00> : vector<16x4096xf32>
    %dot_general3A_239 = tpu.matmul %convert_element_type3A_237, %get3A_60, %dot_general3A_238 {dimension_numbers = #tpu.dot_dimension_numbers<[1], [0], [0], [1], [0, 0, 1, 1], [], []>, transpose_lhs_hint = false} : vector<16x1024xbf16>, vector<1024x4096xbf16>, vector<16x4096xf32> -> vector<16x4096xf32>
    %add3A_240 = arith.addf %get3A_236, %dot_general3A_239 : vector<16x4096xf32>
    %slice3A_241 = vector.extract_strided_slice %add3A_240 {offsets = [0, 0], sizes = [16, 1024], strides = [1, 1]} : vector<16x4096xf32> to vector<16x1024xf32>
    %logistic3A_242 = arith.negf %slice3A_241 : vector<16x1024xf32>
    %logistic3A_243 = math.exp %logistic3A_242 : vector<16x1024xf32>
    %logistic3A_244 = arith.constant 1.000000e+00 : f32
    %logistic3A_245 = vector.broadcast %logistic3A_244 : f32 to vector<16x1024xf32>
    %logistic3A_246 = arith.addf %logistic3A_245, %logistic3A_243 : vector<16x1024xf32>
    %logistic3A_247 = arith.divf %logistic3A_245, %logistic3A_246 : vector<16x1024xf32>
    %slice3A_248 = vector.extract_strided_slice %add3A_240 {offsets = [0, 1024], sizes = [16, 1024], strides = [1, 1]} : vector<16x4096xf32> to vector<16x1024xf32>
    %logistic3A_249 = arith.negf %slice3A_248 : vector<16x1024xf32>
    %logistic3A_250 = math.exp %logistic3A_249 : vector<16x1024xf32>
    %logistic3A_251 = arith.constant 1.000000e+00 : f32
    %logistic3A_252 = vector.broadcast %logistic3A_251 : f32 to vector<16x1024xf32>
    %logistic3A_253 = arith.addf %logistic3A_252, %logistic3A_250 : vector<16x1024xf32>
    %logistic3A_254 = arith.divf %logistic3A_252, %logistic3A_253 : vector<16x1024xf32>
    %slice3A_255 = vector.extract_strided_slice %add3A_240 {offsets = [0, 2048], sizes = [16, 1024], strides = [1, 1]} : vector<16x4096xf32> to vector<16x1024xf32>
    %tanh3A_256 = math.tanh %slice3A_255 : vector<16x1024xf32>
    %slice3A_257 = vector.extract_strided_slice %add3A_240 {offsets = [0, 3072], sizes = [16, 1024], strides = [1, 1]} : vector<16x4096xf32> to vector<16x1024xf32>
    %logistic3A_258 = arith.negf %slice3A_257 : vector<16x1024xf32>
    %logistic3A_259 = math.exp %logistic3A_258 : vector<16x1024xf32>
    %logistic3A_260 = arith.constant 1.000000e+00 : f32
    %logistic3A_261 = vector.broadcast %logistic3A_260 : f32 to vector<16x1024xf32>
    %logistic3A_262 = arith.addf %logistic3A_261, %logistic3A_259 : vector<16x1024xf32>
    %logistic3A_263 = arith.divf %logistic3A_261, %logistic3A_262 : vector<16x1024xf32>
    %mul3A_264 = arith.mulf %logistic3A_254, %add3A_180 : vector<16x1024xf32>
    %mul3A_265 = arith.mulf %logistic3A_247, %tanh3A_256 : vector<16x1024xf32>
    %add3A_266 = arith.addf %mul3A_264, %mul3A_265 : vector<16x1024xf32>
    %tanh3A_267 = math.tanh %add3A_266 : vector<16x1024xf32>
    %mul3A_268 = arith.mulf %logistic3A_263, %tanh3A_267 : vector<16x1024xf32>
    %swap3A_269 = arith.constant 2 : index
    %swap3A_270 = arith.constant 0 : index
    %swap3A_271 = arith.constant 0 : index
    %swap3A_272 = vector.load %arg14[%swap3A_269, %swap3A_270, %swap3A_271] : memref<8x16x1024xf32, #tpu.memory_space<vmem>>, vector<1x16x1024xf32>
    %swap3A_273 = vector.shape_cast %swap3A_272 : vector<1x16x1024xf32> to vector<16x1024xf32>
    %swap3A_274 = vector.shape_cast %mul3A_268 : vector<16x1024xf32> to vector<1x16x1024xf32>
    tpu.vector_store %arg14[%swap3A_269, %swap3A_270, %swap3A_271], %swap3A_274 {strides = array<i32>} : memref<8x16x1024xf32, #tpu.memory_space<vmem>>, vector<1x16x1024xf32>,
    %get3A_275 = arith.constant 2 : index
    %get3A_276 = arith.constant 0 : index
    %get3A_277 = arith.constant 0 : index
    %get3A_278 = vector.load %arg13[%get3A_275, %get3A_276, %get3A_277] : memref<8x16x4096xf32, #tpu.memory_space<vmem>>, vector<1x16x4096xf32>
    %get3A_279 = vector.shape_cast %get3A_278 : vector<1x16x4096xf32> to vector<16x4096xf32>
    %convert_element_type3A_280 = arith.truncf %mul3A_225 : vector<16x1024xf32> to vector<16x1024xbf16>
    %dot_general3A_281 = arith.constant dense<0.000000e+00> : vector<16x4096xf32>
    %dot_general3A_282 = tpu.matmul %convert_element_type3A_280, %get3A_63, %dot_general3A_281 {dimension_numbers = #tpu.dot_dimension_numbers<[1], [0], [0], [1], [0, 0, 1, 1], [], []>, transpose_lhs_hint = false} : vector<16x1024xbf16>, vector<1024x4096xbf16>, vector<16x4096xf32> -> vector<16x4096xf32>
    %add3A_283 = arith.addf %get3A_279, %dot_general3A_282 : vector<16x4096xf32>
    %slice3A_284 = vector.extract_strided_slice %add3A_283 {offsets = [0, 0], sizes = [16, 1024], strides = [1, 1]} : vector<16x4096xf32> to vector<16x1024xf32>
    %logistic3A_285 = arith.negf %slice3A_284 : vector<16x1024xf32>
    %logistic3A_286 = math.exp %logistic3A_285 : vector<16x1024xf32>
    %logistic3A_287 = arith.constant 1.000000e+00 : f32
    %logistic3A_288 = vector.broadcast %logistic3A_287 : f32 to vector<16x1024xf32>
    %logistic3A_289 = arith.addf %logistic3A_288, %logistic3A_286 : vector<16x1024xf32>
    %logistic3A_290 = arith.divf %logistic3A_288, %logistic3A_289 : vector<16x1024xf32>
    %slice3A_291 = vector.extract_strided_slice %add3A_283 {offsets = [0, 1024], sizes = [16, 1024], strides = [1, 1]} : vector<16x4096xf32> to vector<16x1024xf32>
    %logistic3A_292 = arith.negf %slice3A_291 : vector<16x1024xf32>
    %logistic3A_293 = math.exp %logistic3A_292 : vector<16x1024xf32>
    %logistic3A_294 = arith.constant 1.000000e+00 : f32
    %logistic3A_295 = vector.broadcast %logistic3A_294 : f32 to vector<16x1024xf32>
    %logistic3A_296 = arith.addf %logistic3A_295, %logistic3A_293 : vector<16x1024xf32>
    %logistic3A_297 = arith.divf %logistic3A_295, %logistic3A_296 : vector<16x1024xf32>
    %slice3A_298 = vector.extract_strided_slice %add3A_283 {offsets = [0, 2048], sizes = [16, 1024], strides = [1, 1]} : vector<16x4096xf32> to vector<16x1024xf32>
    %tanh3A_299 = math.tanh %slice3A_298 : vector<16x1024xf32>
    %slice3A_300 = vector.extract_strided_slice %add3A_283 {offsets = [0, 3072], sizes = [16, 1024], strides = [1, 1]} : vector<16x4096xf32> to vector<16x1024xf32>
    %logistic3A_301 = arith.negf %slice3A_300 : vector<16x1024xf32>
    %logistic3A_302 = math.exp %logistic3A_301 : vector<16x1024xf32>
    %logistic3A_303 = arith.constant 1.000000e+00 : f32
    %logistic3A_304 = vector.broadcast %logistic3A_303 : f32 to vector<16x1024xf32>
    %logistic3A_305 = arith.addf %logistic3A_304, %logistic3A_302 : vector<16x1024xf32>
    %logistic3A_306 = arith.divf %logistic3A_304, %logistic3A_305 : vector<16x1024xf32>
    %mul3A_307 = arith.mulf %logistic3A_297, %add3A_223 : vector<16x1024xf32>
    %mul3A_308 = arith.mulf %logistic3A_290, %tanh3A_299 : vector<16x1024xf32>
    %add3A_309 = arith.addf %mul3A_307, %mul3A_308 : vector<16x1024xf32>
    %tanh3A_310 = math.tanh %add3A_309 : vector<16x1024xf32>
    %mul3A_311 = arith.mulf %logistic3A_306, %tanh3A_310 : vector<16x1024xf32>
    %swap3A_312 = arith.constant 2 : index
    %swap3A_313 = arith.constant 0 : index
    %swap3A_314 = arith.constant 0 : index
    %swap3A_315 = vector.load %arg15[%swap3A_312, %swap3A_313, %swap3A_314] : memref<8x16x1024xf32, #tpu.memory_space<vmem>>, vector<1x16x1024xf32>
    %swap3A_316 = vector.shape_cast %swap3A_315 : vector<1x16x1024xf32> to vector<16x1024xf32>
    %swap3A_317 = vector.shape_cast %mul3A_311 : vector<16x1024xf32> to vector<1x16x1024xf32>
    tpu.vector_store %arg15[%swap3A_312, %swap3A_313, %swap3A_314], %swap3A_317 {strides = array<i32>} : memref<8x16x1024xf32, #tpu.memory_space<vmem>>, vector<1x16x1024xf32>,
    %get3A_318 = arith.constant 3 : index
    %get3A_319 = arith.constant 0 : index
    %get3A_320 = arith.constant 0 : index
    %get3A_321 = vector.load %arg12[%get3A_318, %get3A_319, %get3A_320] : memref<8x16x4096xf32, #tpu.memory_space<vmem>>, vector<1x16x4096xf32>
    %get3A_322 = vector.shape_cast %get3A_321 : vector<1x16x4096xf32> to vector<16x4096xf32>
    %convert_element_type3A_323 = arith.truncf %mul3A_268 : vector<16x1024xf32> to vector<16x1024xbf16>
    %dot_general3A_324 = arith.constant dense<0.000000e+00> : vector<16x4096xf32>
    %dot_general3A_325 = tpu.matmul %convert_element_type3A_323, %get3A_60, %dot_general3A_324 {dimension_numbers = #tpu.dot_dimension_numbers<[1], [0], [0], [1], [0, 0, 1, 1], [], []>, transpose_lhs_hint = false} : vector<16x1024xbf16>, vector<1024x4096xbf16>, vector<16x4096xf32> -> vector<16x4096xf32>
    %add3A_326 = arith.addf %get3A_322, %dot_general3A_325 : vector<16x4096xf32>
    %slice3A_327 = vector.extract_strided_slice %add3A_326 {offsets = [0, 0], sizes = [16, 1024], strides = [1, 1]} : vector<16x4096xf32> to vector<16x1024xf32>
    %logistic3A_328 = arith.negf %slice3A_327 : vector<16x1024xf32>
    %logistic3A_329 = math.exp %logistic3A_328 : vector<16x1024xf32>
    %logistic3A_330 = arith.constant 1.000000e+00 : f32
    %logistic3A_331 = vector.broadcast %logistic3A_330 : f32 to vector<16x1024xf32>
    %logistic3A_332 = arith.addf %logistic3A_331, %logistic3A_329 : vector<16x1024xf32>
    %logistic3A_333 = arith.divf %logistic3A_331, %logistic3A_332 : vector<16x1024xf32>
    %slice3A_334 = vector.extract_strided_slice %add3A_326 {offsets = [0, 1024], sizes = [16, 1024], strides = [1, 1]} : vector<16x4096xf32> to vector<16x1024xf32>
    %logistic3A_335 = arith.negf %slice3A_334 : vector<16x1024xf32>
    %logistic3A_336 = math.exp %logistic3A_335 : vector<16x1024xf32>
    %logistic3A_337 = arith.constant 1.000000e+00 : f32
    %logistic3A_338 = vector.broadcast %logistic3A_337 : f32 to vector<16x1024xf32>
    %logistic3A_339 = arith.addf %logistic3A_338, %logistic3A_336 : vector<16x1024xf32>
    %logistic3A_340 = arith.divf %logistic3A_338, %logistic3A_339 : vector<16x1024xf32>
    %slice3A_341 = vector.extract_strided_slice %add3A_326 {offsets = [0, 2048], sizes = [16, 1024], strides = [1, 1]} : vector<16x4096xf32> to vector<16x1024xf32>
    %tanh3A_342 = math.tanh %slice3A_341 : vector<16x1024xf32>
    %slice3A_343 = vector.extract_strided_slice %add3A_326 {offsets = [0, 3072], sizes = [16, 1024], strides = [1, 1]} : vector<16x4096xf32> to vector<16x1024xf32>
    %logistic3A_344 = arith.negf %slice3A_343 : vector<16x1024xf32>
    %logistic3A_345 = math.exp %logistic3A_344 : vector<16x1024xf32>
    %logistic3A_346 = arith.constant 1.000000e+00 : f32
    %logistic3A_347 = vector.broadcast %logistic3A_346 : f32 to vector<16x1024xf32>
    %logistic3A_348 = arith.addf %logistic3A_347, %logistic3A_345 : vector<16x1024xf32>
    %logistic3A_349 = arith.divf %logistic3A_347, %logistic3A_348 : vector<16x1024xf32>
    %mul3A_350 = arith.mulf %logistic3A_340, %add3A_266 : vector<16x1024xf32>
    %mul3A_351 = arith.mulf %logistic3A_333, %tanh3A_342 : vector<16x1024xf32>
    %add3A_352 = arith.addf %mul3A_350, %mul3A_351 : vector<16x1024xf32>
    %tanh3A_353 = math.tanh %add3A_352 : vector<16x1024xf32>
    %mul3A_354 = arith.mulf %logistic3A_349, %tanh3A_353 : vector<16x1024xf32>
    %swap3A_355 = arith.constant 3 : index
    %swap3A_356 = arith.constant 0 : index
    %swap3A_357 = arith.constant 0 : index
    %swap3A_358 = vector.load %arg14[%swap3A_355, %swap3A_356, %swap3A_357] : memref<8x16x1024xf32, #tpu.memory_space<vmem>>, vector<1x16x1024xf32>
    %swap3A_359 = vector.shape_cast %swap3A_358 : vector<1x16x1024xf32> to vector<16x1024xf32>
    %swap3A_360 = vector.shape_cast %mul3A_354 : vector<16x1024xf32> to vector<1x16x1024xf32>
    tpu.vector_store %arg14[%swap3A_355, %swap3A_356, %swap3A_357], %swap3A_360 {strides = array<i32>} : memref<8x16x1024xf32, #tpu.memory_space<vmem>>, vector<1x16x1024xf32>,
    %get3A_361 = arith.constant 3 : index
    %get3A_362 = arith.constant 0 : index
    %get3A_363 = arith.constant 0 : index
    %get3A_364 = vector.load %arg13[%get3A_361, %get3A_362, %get3A_363] : memref<8x16x4096xf32, #tpu.memory_space<vmem>>, vector<1x16x4096xf32>
    %get3A_365 = vector.shape_cast %get3A_364 : vector<1x16x4096xf32> to vector<16x4096xf32>
    %convert_element_type3A_366 = arith.truncf %mul3A_311 : vector<16x1024xf32> to vector<16x1024xbf16>
    %dot_general3A_367 = arith.constant dense<0.000000e+00> : vector<16x4096xf32>
    %dot_general3A_368 = tpu.matmul %convert_element_type3A_366, %get3A_63, %dot_general3A_367 {dimension_numbers = #tpu.dot_dimension_numbers<[1], [0], [0], [1], [0, 0, 1, 1], [], []>, transpose_lhs_hint = false} : vector<16x1024xbf16>, vector<1024x4096xbf16>, vector<16x4096xf32> -> vector<16x4096xf32>
    %add3A_369 = arith.addf %get3A_365, %dot_general3A_368 : vector<16x4096xf32>
    %slice3A_370 = vector.extract_strided_slice %add3A_369 {offsets = [0, 0], sizes = [16, 1024], strides = [1, 1]} : vector<16x4096xf32> to vector<16x1024xf32>
    %logistic3A_371 = arith.negf %slice3A_370 : vector<16x1024xf32>
    %logistic3A_372 = math.exp %logistic3A_371 : vector<16x1024xf32>
    %logistic3A_373 = arith.constant 1.000000e+00 : f32
    %logistic3A_374 = vector.broadcast %logistic3A_373 : f32 to vector<16x1024xf32>
    %logistic3A_375 = arith.addf %logistic3A_374, %logistic3A_372 : vector<16x1024xf32>
    %logistic3A_376 = arith.divf %logistic3A_374, %logistic3A_375 : vector<16x1024xf32>
    %slice3A_377 = vector.extract_strided_slice %add3A_369 {offsets = [0, 1024], sizes = [16, 1024], strides = [1, 1]} : vector<16x4096xf32> to vector<16x1024xf32>
    %logistic3A_378 = arith.negf %slice3A_377 : vector<16x1024xf32>
    %logistic3A_379 = math.exp %logistic3A_378 : vector<16x1024xf32>
    %logistic3A_380 = arith.constant 1.000000e+00 : f32
    %logistic3A_381 = vector.broadcast %logistic3A_380 : f32 to vector<16x1024xf32>
    %logistic3A_382 = arith.addf %logistic3A_381, %logistic3A_379 : vector<16x1024xf32>
    %logistic3A_383 = arith.divf %logistic3A_381, %logistic3A_382 : vector<16x1024xf32>
    %slice3A_384 = vector.extract_strided_slice %add3A_369 {offsets = [0, 2048], sizes = [16, 1024], strides = [1, 1]} : vector<16x4096xf32> to vector<16x1024xf32>
    %tanh3A_385 = math.tanh %slice3A_384 : vector<16x1024xf32>
    %slice3A_386 = vector.extract_strided_slice %add3A_369 {offsets = [0, 3072], sizes = [16, 1024], strides = [1, 1]} : vector<16x4096xf32> to vector<16x1024xf32>
    %logistic3A_387 = arith.negf %slice3A_386 : vector<16x1024xf32>
    %logistic3A_388 = math.exp %logistic3A_387 : vector<16x1024xf32>
    %logistic3A_389 = arith.constant 1.000000e+00 : f32
    %logistic3A_390 = vector.broadcast %logistic3A_389 : f32 to vector<16x1024xf32>
    %logistic3A_391 = arith.addf %logistic3A_390, %logistic3A_388 : vector<16x1024xf32>
    %logistic3A_392 = arith.divf %logistic3A_390, %logistic3A_391 : vector<16x1024xf32>
    %mul3A_393 = arith.mulf %logistic3A_383, %add3A_309 : vector<16x1024xf32>
    %mul3A_394 = arith.mulf %logistic3A_376, %tanh3A_385 : vector<16x1024xf32>
    %add3A_395 = arith.addf %mul3A_393, %mul3A_394 : vector<16x1024xf32>
    %tanh3A_396 = math.tanh %add3A_395 : vector<16x1024xf32>
    %mul3A_397 = arith.mulf %logistic3A_392, %tanh3A_396 : vector<16x1024xf32>
    %swap3A_398 = arith.constant 3 : index
    %swap3A_399 = arith.constant 0 : index
    %swap3A_400 = arith.constant 0 : index
    %swap3A_401 = vector.load %arg15[%swap3A_398, %swap3A_399, %swap3A_400] : memref<8x16x1024xf32, #tpu.memory_space<vmem>>, vector<1x16x1024xf32>
    %swap3A_402 = vector.shape_cast %swap3A_401 : vector<1x16x1024xf32> to vector<16x1024xf32>
    %swap3A_403 = vector.shape_cast %mul3A_397 : vector<16x1024xf32> to vector<1x16x1024xf32>
    tpu.vector_store %arg15[%swap3A_398, %swap3A_399, %swap3A_400], %swap3A_403 {strides = array<i32>} : memref<8x16x1024xf32, #tpu.memory_space<vmem>>, vector<1x16x1024xf32>,
    %get3A_404 = arith.constant 4 : index
    %get3A_405 = arith.constant 0 : index
    %get3A_406 = arith.constant 0 : index
    %get3A_407 = vector.load %arg12[%get3A_404, %get3A_405, %get3A_406] : memref<8x16x4096xf32, #tpu.memory_space<vmem>>, vector<1x16x4096xf32>
    %get3A_408 = vector.shape_cast %get3A_407 : vector<1x16x4096xf32> to vector<16x4096xf32>
    %convert_element_type3A_409 = arith.truncf %mul3A_354 : vector<16x1024xf32> to vector<16x1024xbf16>
    %dot_general3A_410 = arith.constant dense<0.000000e+00> : vector<16x4096xf32>
    %dot_general3A_411 = tpu.matmul %convert_element_type3A_409, %get3A_60, %dot_general3A_410 {dimension_numbers = #tpu.dot_dimension_numbers<[1], [0], [0], [1], [0, 0, 1, 1], [], []>, transpose_lhs_hint = false} : vector<16x1024xbf16>, vector<1024x4096xbf16>, vector<16x4096xf32> -> vector<16x4096xf32>
    %add3A_412 = arith.addf %get3A_408, %dot_general3A_411 : vector<16x4096xf32>
    %slice3A_413 = vector.extract_strided_slice %add3A_412 {offsets = [0, 0], sizes = [16, 1024], strides = [1, 1]} : vector<16x4096xf32> to vector<16x1024xf32>
    %logistic3A_414 = arith.negf %slice3A_413 : vector<16x1024xf32>
    %logistic3A_415 = math.exp %logistic3A_414 : vector<16x1024xf32>
    %logistic3A_416 = arith.constant 1.000000e+00 : f32
    %logistic3A_417 = vector.broadcast %logistic3A_416 : f32 to vector<16x1024xf32>
    %logistic3A_418 = arith.addf %logistic3A_417, %logistic3A_415 : vector<16x1024xf32>
    %logistic3A_419 = arith.divf %logistic3A_417, %logistic3A_418 : vector<16x1024xf32>
    %slice3A_420 = vector.extract_strided_slice %add3A_412 {offsets = [0, 1024], sizes = [16, 1024], strides = [1, 1]} : vector<16x4096xf32> to vector<16x1024xf32>
    %logistic3A_421 = arith.negf %slice3A_420 : vector<16x1024xf32>
    %logistic3A_422 = math.exp %logistic3A_421 : vector<16x1024xf32>
    %logistic3A_423 = arith.constant 1.000000e+00 : f32
    %logistic3A_424 = vector.broadcast %logistic3A_423 : f32 to vector<16x1024xf32>
    %logistic3A_425 = arith.addf %logistic3A_424, %logistic3A_422 : vector<16x1024xf32>
    %logistic3A_426 = arith.divf %logistic3A_424, %logistic3A_425 : vector<16x1024xf32>
    %slice3A_427 = vector.extract_strided_slice %add3A_412 {offsets = [0, 2048], sizes = [16, 1024], strides = [1, 1]} : vector<16x4096xf32> to vector<16x1024xf32>
    %tanh3A_428 = math.tanh %slice3A_427 : vector<16x1024xf32>
    %slice3A_429 = vector.extract_strided_slice %add3A_412 {offsets = [0, 3072], sizes = [16, 1024], strides = [1, 1]} : vector<16x4096xf32> to vector<16x1024xf32>
    %logistic3A_430 = arith.negf %slice3A_429 : vector<16x1024xf32>
    %logistic3A_431 = math.exp %logistic3A_430 : vector<16x1024xf32>
    %logistic3A_432 = arith.constant 1.000000e+00 : f32
    %logistic3A_433 = vector.broadcast %logistic3A_432 : f32 to vector<16x1024xf32>
    %logistic3A_434 = arith.addf %logistic3A_433, %logistic3A_431 : vector<16x1024xf32>
    %logistic3A_435 = arith.divf %logistic3A_433, %logistic3A_434 : vector<16x1024xf32>
    %mul3A_436 = arith.mulf %logistic3A_426, %add3A_352 : vector<16x1024xf32>
    %mul3A_437 = arith.mulf %logistic3A_419, %tanh3A_428 : vector<16x1024xf32>
    %add3A_438 = arith.addf %mul3A_436, %mul3A_437 : vector<16x1024xf32>
    %tanh3A_439 = math.tanh %add3A_438 : vector<16x1024xf32>
    %mul3A_440 = arith.mulf %logistic3A_435, %tanh3A_439 : vector<16x1024xf32>
    %swap3A_441 = arith.constant 4 : index
    %swap3A_442 = arith.constant 0 : index
    %swap3A_443 = arith.constant 0 : index
    %swap3A_444 = vector.load %arg14[%swap3A_441, %swap3A_442, %swap3A_443] : memref<8x16x1024xf32, #tpu.memory_space<vmem>>, vector<1x16x1024xf32>
    %swap3A_445 = vector.shape_cast %swap3A_444 : vector<1x16x1024xf32> to vector<16x1024xf32>
    %swap3A_446 = vector.shape_cast %mul3A_440 : vector<16x1024xf32> to vector<1x16x1024xf32>
    tpu.vector_store %arg14[%swap3A_441, %swap3A_442, %swap3A_443], %swap3A_446 {strides = array<i32>} : memref<8x16x1024xf32, #tpu.memory_space<vmem>>, vector<1x16x1024xf32>,
    %get3A_447 = arith.constant 4 : index
    %get3A_448 = arith.constant 0 : index
    %get3A_449 = arith.constant 0 : index
    %get3A_450 = vector.load %arg13[%get3A_447, %get3A_448, %get3A_449] : memref<8x16x4096xf32, #tpu.memory_space<vmem>>, vector<1x16x4096xf32>
    %get3A_451 = vector.shape_cast %get3A_450 : vector<1x16x4096xf32> to vector<16x4096xf32>
    %convert_element_type3A_452 = arith.truncf %mul3A_397 : vector<16x1024xf32> to vector<16x1024xbf16>
    %dot_general3A_453 = arith.constant dense<0.000000e+00> : vector<16x4096xf32>
    %dot_general3A_454 = tpu.matmul %convert_element_type3A_452, %get3A_63, %dot_general3A_453 {dimension_numbers = #tpu.dot_dimension_numbers<[1], [0], [0], [1], [0, 0, 1, 1], [], []>, transpose_lhs_hint = false} : vector<16x1024xbf16>, vector<1024x4096xbf16>, vector<16x4096xf32> -> vector<16x4096xf32>
    %add3A_455 = arith.addf %get3A_451, %dot_general3A_454 : vector<16x4096xf32>
    %slice3A_456 = vector.extract_strided_slice %add3A_455 {offsets = [0, 0], sizes = [16, 1024], strides = [1, 1]} : vector<16x4096xf32> to vector<16x1024xf32>
    %logistic3A_457 = arith.negf %slice3A_456 : vector<16x1024xf32>
    %logistic3A_458 = math.exp %logistic3A_457 : vector<16x1024xf32>
    %logistic3A_459 = arith.constant 1.000000e+00 : f32
    %logistic3A_460 = vector.broadcast %logistic3A_459 : f32 to vector<16x1024xf32>
    %logistic3A_461 = arith.addf %logistic3A_460, %logistic3A_458 : vector<16x1024xf32>
    %logistic3A_462 = arith.divf %logistic3A_460, %logistic3A_461 : vector<16x1024xf32>
    %slice3A_463 = vector.extract_strided_slice %add3A_455 {offsets = [0, 1024], sizes = [16, 1024], strides = [1, 1]} : vector<16x4096xf32> to vector<16x1024xf32>
    %logistic3A_464 = arith.negf %slice3A_463 : vector<16x1024xf32>
    %logistic3A_465 = math.exp %logistic3A_464 : vector<16x1024xf32>
    %logistic3A_466 = arith.constant 1.000000e+00 : f32
    %logistic3A_467 = vector.broadcast %logistic3A_466 : f32 to vector<16x1024xf32>
    %logistic3A_468 = arith.addf %logistic3A_467, %logistic3A_465 : vector<16x1024xf32>
    %logistic3A_469 = arith.divf %logistic3A_467, %logistic3A_468 : vector<16x1024xf32>
    %slice3A_470 = vector.extract_strided_slice %add3A_455 {offsets = [0, 2048], sizes = [16, 1024], strides = [1, 1]} : vector<16x4096xf32> to vector<16x1024xf32>
    %tanh3A_471 = math.tanh %slice3A_470 : vector<16x1024xf32>
    %slice3A_472 = vector.extract_strided_slice %add3A_455 {offsets = [0, 3072], sizes = [16, 1024], strides = [1, 1]} : vector<16x4096xf32> to vector<16x1024xf32>
    %logistic3A_473 = arith.negf %slice3A_472 : vector<16x1024xf32>
    %logistic3A_474 = math.exp %logistic3A_473 : vector<16x1024xf32>
    %logistic3A_475 = arith.constant 1.000000e+00 : f32
    %logistic3A_476 = vector.broadcast %logistic3A_475 : f32 to vector<16x1024xf32>
    %logistic3A_477 = arith.addf %logistic3A_476, %logistic3A_474 : vector<16x1024xf32>
    %logistic3A_478 = arith.divf %logistic3A_476, %logistic3A_477 : vector<16x1024xf32>
    %mul3A_479 = arith.mulf %logistic3A_469, %add3A_395 : vector<16x1024xf32>
    %mul3A_480 = arith.mulf %logistic3A_462, %tanh3A_471 : vector<16x1024xf32>
    %add3A_481 = arith.addf %mul3A_479, %mul3A_480 : vector<16x1024xf32>
    %tanh3A_482 = math.tanh %add3A_481 : vector<16x1024xf32>
    %mul3A_483 = arith.mulf %logistic3A_478, %tanh3A_482 : vector<16x1024xf32>
    %swap3A_484 = arith.constant 4 : index
    %swap3A_485 = arith.constant 0 : index
    %swap3A_486 = arith.constant 0 : index
    %swap3A_487 = vector.load %arg15[%swap3A_484, %swap3A_485, %swap3A_486] : memref<8x16x1024xf32, #tpu.memory_space<vmem>>, vector<1x16x1024xf32>
    %swap3A_488 = vector.shape_cast %swap3A_487 : vector<1x16x1024xf32> to vector<16x1024xf32>
    %swap3A_489 = vector.shape_cast %mul3A_483 : vector<16x1024xf32> to vector<1x16x1024xf32>
    tpu.vector_store %arg15[%swap3A_484, %swap3A_485, %swap3A_486], %swap3A_489 {strides = array<i32>} : memref<8x16x1024xf32, #tpu.memory_space<vmem>>, vector<1x16x1024xf32>,
    %get3A_490 = arith.constant 5 : index
    %get3A_491 = arith.constant 0 : index
    %get3A_492 = arith.constant 0 : index
    %get3A_493 = vector.load %arg12[%get3A_490, %get3A_491, %get3A_492] : memref<8x16x4096xf32, #tpu.memory_space<vmem>>, vector<1x16x4096xf32>
    %get3A_494 = vector.shape_cast %get3A_493 : vector<1x16x4096xf32> to vector<16x4096xf32>
    %convert_element_type3A_495 = arith.truncf %mul3A_440 : vector<16x1024xf32> to vector<16x1024xbf16>
    %dot_general3A_496 = arith.constant dense<0.000000e+00> : vector<16x4096xf32>
    %dot_general3A_497 = tpu.matmul %convert_element_type3A_495, %get3A_60, %dot_general3A_496 {dimension_numbers = #tpu.dot_dimension_numbers<[1], [0], [0], [1], [0, 0, 1, 1], [], []>, transpose_lhs_hint = false} : vector<16x1024xbf16>, vector<1024x4096xbf16>, vector<16x4096xf32> -> vector<16x4096xf32>
    %add3A_498 = arith.addf %get3A_494, %dot_general3A_497 : vector<16x4096xf32>
    %slice3A_499 = vector.extract_strided_slice %add3A_498 {offsets = [0, 0], sizes = [16, 1024], strides = [1, 1]} : vector<16x4096xf32> to vector<16x1024xf32>
    %logistic3A_500 = arith.negf %slice3A_499 : vector<16x1024xf32>
    %logistic3A_501 = math.exp %logistic3A_500 : vector<16x1024xf32>
    %logistic3A_502 = arith.constant 1.000000e+00 : f32
    %logistic3A_503 = vector.broadcast %logistic3A_502 : f32 to vector<16x1024xf32>
    %logistic3A_504 = arith.addf %logistic3A_503, %logistic3A_501 : vector<16x1024xf32>
    %logistic3A_505 = arith.divf %logistic3A_503, %logistic3A_504 : vector<16x1024xf32>
    %slice3A_506 = vector.extract_strided_slice %add3A_498 {offsets = [0, 1024], sizes = [16, 1024], strides = [1, 1]} : vector<16x4096xf32> to vector<16x1024xf32>
    %logistic3A_507 = arith.negf %slice3A_506 : vector<16x1024xf32>
    %logistic3A_508 = math.exp %logistic3A_507 : vector<16x1024xf32>
    %logistic3A_509 = arith.constant 1.000000e+00 : f32
    %logistic3A_510 = vector.broadcast %logistic3A_509 : f32 to vector<16x1024xf32>
    %logistic3A_511 = arith.addf %logistic3A_510, %logistic3A_508 : vector<16x1024xf32>
    %logistic3A_512 = arith.divf %logistic3A_510, %logistic3A_511 : vector<16x1024xf32>
    %slice3A_513 = vector.extract_strided_slice %add3A_498 {offsets = [0, 2048], sizes = [16, 1024], strides = [1, 1]} : vector<16x4096xf32> to vector<16x1024xf32>
    %tanh3A_514 = math.tanh %slice3A_513 : vector<16x1024xf32>
    %slice3A_515 = vector.extract_strided_slice %add3A_498 {offsets = [0, 3072], sizes = [16, 1024], strides = [1, 1]} : vector<16x4096xf32> to vector<16x1024xf32>
    %logistic3A_516 = arith.negf %slice3A_515 : vector<16x1024xf32>
    %logistic3A_517 = math.exp %logistic3A_516 : vector<16x1024xf32>
    %logistic3A_518 = arith.constant 1.000000e+00 : f32
    %logistic3A_519 = vector.broadcast %logistic3A_518 : f32 to vector<16x1024xf32>
    %logistic3A_520 = arith.addf %logistic3A_519, %logistic3A_517 : vector<16x1024xf32>
    %logistic3A_521 = arith.divf %logistic3A_519, %logistic3A_520 : vector<16x1024xf32>
    %mul3A_522 = arith.mulf %logistic3A_512, %add3A_438 : vector<16x1024xf32>
    %mul3A_523 = arith.mulf %logistic3A_505, %tanh3A_514 : vector<16x1024xf32>
    %add3A_524 = arith.addf %mul3A_522, %mul3A_523 : vector<16x1024xf32>
    %tanh3A_525 = math.tanh %add3A_524 : vector<16x1024xf32>
    %mul3A_526 = arith.mulf %logistic3A_521, %tanh3A_525 : vector<16x1024xf32>
    %swap3A_527 = arith.constant 5 : index
    %swap3A_528 = arith.constant 0 : index
    %swap3A_529 = arith.constant 0 : index
    %swap3A_530 = vector.load %arg14[%swap3A_527, %swap3A_528, %swap3A_529] : memref<8x16x1024xf32, #tpu.memory_space<vmem>>, vector<1x16x1024xf32>
    %swap3A_531 = vector.shape_cast %swap3A_530 : vector<1x16x1024xf32> to vector<16x1024xf32>
    %swap3A_532 = vector.shape_cast %mul3A_526 : vector<16x1024xf32> to vector<1x16x1024xf32>
    tpu.vector_store %arg14[%swap3A_527, %swap3A_528, %swap3A_529], %swap3A_532 {strides = array<i32>} : memref<8x16x1024xf32, #tpu.memory_space<vmem>>, vector<1x16x1024xf32>,
    %get3A_533 = arith.constant 5 : index
    %get3A_534 = arith.constant 0 : index
    %get3A_535 = arith.constant 0 : index
    %get3A_536 = vector.load %arg13[%get3A_533, %get3A_534, %get3A_535] : memref<8x16x4096xf32, #tpu.memory_space<vmem>>, vector<1x16x4096xf32>
    %get3A_537 = vector.shape_cast %get3A_536 : vector<1x16x4096xf32> to vector<16x4096xf32>
    %convert_element_type3A_538 = arith.truncf %mul3A_483 : vector<16x1024xf32> to vector<16x1024xbf16>
    %dot_general3A_539 = arith.constant dense<0.000000e+00> : vector<16x4096xf32>
    %dot_general3A_540 = tpu.matmul %convert_element_type3A_538, %get3A_63, %dot_general3A_539 {dimension_numbers = #tpu.dot_dimension_numbers<[1], [0], [0], [1], [0, 0, 1, 1], [], []>, transpose_lhs_hint = false} : vector<16x1024xbf16>, vector<1024x4096xbf16>, vector<16x4096xf32> -> vector<16x4096xf32>
    %add3A_541 = arith.addf %get3A_537, %dot_general3A_540 : vector<16x4096xf32>
    %slice3A_542 = vector.extract_strided_slice %add3A_541 {offsets = [0, 0], sizes = [16, 1024], strides = [1, 1]} : vector<16x4096xf32> to vector<16x1024xf32>
    %logistic3A_543 = arith.negf %slice3A_542 : vector<16x1024xf32>
    %logistic3A_544 = math.exp %logistic3A_543 : vector<16x1024xf32>
    %logistic3A_545 = arith.constant 1.000000e+00 : f32
    %logistic3A_546 = vector.broadcast %logistic3A_545 : f32 to vector<16x1024xf32>
    %logistic3A_547 = arith.addf %logistic3A_546, %logistic3A_544 : vector<16x1024xf32>
    %logistic3A_548 = arith.divf %logistic3A_546, %logistic3A_547 : vector<16x1024xf32>
    %slice3A_549 = vector.extract_strided_slice %add3A_541 {offsets = [0, 1024], sizes = [16, 1024], strides = [1, 1]} : vector<16x4096xf32> to vector<16x1024xf32>
    %logistic3A_550 = arith.negf %slice3A_549 : vector<16x1024xf32>
    %logistic3A_551 = math.exp %logistic3A_550 : vector<16x1024xf32>
    %logistic3A_552 = arith.constant 1.000000e+00 : f32
    %logistic3A_553 = vector.broadcast %logistic3A_552 : f32 to vector<16x1024xf32>
    %logistic3A_554 = arith.addf %logistic3A_553, %logistic3A_551 : vector<16x1024xf32>
    %logistic3A_555 = arith.divf %logistic3A_553, %logistic3A_554 : vector<16x1024xf32>
    %slice3A_556 = vector.extract_strided_slice %add3A_541 {offsets = [0, 2048], sizes = [16, 1024], strides = [1, 1]} : vector<16x4096xf32> to vector<16x1024xf32>
    %tanh3A_557 = math.tanh %slice3A_556 : vector<16x1024xf32>
    %slice3A_558 = vector.extract_strided_slice %add3A_541 {offsets = [0, 3072], sizes = [16, 1024], strides = [1, 1]} : vector<16x4096xf32> to vector<16x1024xf32>
    %logistic3A_559 = arith.negf %slice3A_558 : vector<16x1024xf32>
    %logistic3A_560 = math.exp %logistic3A_559 : vector<16x1024xf32>
    %logistic3A_561 = arith.constant 1.000000e+00 : f32
    %logistic3A_562 = vector.broadcast %logistic3A_561 : f32 to vector<16x1024xf32>
    %logistic3A_563 = arith.addf %logistic3A_562, %logistic3A_560 : vector<16x1024xf32>
    %logistic3A_564 = arith.divf %logistic3A_562, %logistic3A_563 : vector<16x1024xf32>
    %mul3A_565 = arith.mulf %logistic3A_555, %add3A_481 : vector<16x1024xf32>
    %mul3A_566 = arith.mulf %logistic3A_548, %tanh3A_557 : vector<16x1024xf32>
    %add3A_567 = arith.addf %mul3A_565, %mul3A_566 : vector<16x1024xf32>
    %tanh3A_568 = math.tanh %add3A_567 : vector<16x1024xf32>
    %mul3A_569 = arith.mulf %logistic3A_564, %tanh3A_568 : vector<16x1024xf32>
    %swap3A_570 = arith.constant 5 : index
    %swap3A_571 = arith.constant 0 : index
    %swap3A_572 = arith.constant 0 : index
    %swap3A_573 = vector.load %arg15[%swap3A_570, %swap3A_571, %swap3A_572] : memref<8x16x1024xf32, #tpu.memory_space<vmem>>, vector<1x16x1024xf32>
    %swap3A_574 = vector.shape_cast %swap3A_573 : vector<1x16x1024xf32> to vector<16x1024xf32>
    %swap3A_575 = vector.shape_cast %mul3A_569 : vector<16x1024xf32> to vector<1x16x1024xf32>
    tpu.vector_store %arg15[%swap3A_570, %swap3A_571, %swap3A_572], %swap3A_575 {strides = array<i32>} : memref<8x16x1024xf32, #tpu.memory_space<vmem>>, vector<1x16x1024xf32>,
    %get3A_576 = arith.constant 6 : index
    %get3A_577 = arith.constant 0 : index
    %get3A_578 = arith.constant 0 : index
    %get3A_579 = vector.load %arg12[%get3A_576, %get3A_577, %get3A_578] : memref<8x16x4096xf32, #tpu.memory_space<vmem>>, vector<1x16x4096xf32>
    %get3A_580 = vector.shape_cast %get3A_579 : vector<1x16x4096xf32> to vector<16x4096xf32>
    %convert_element_type3A_581 = arith.truncf %mul3A_526 : vector<16x1024xf32> to vector<16x1024xbf16>
    %dot_general3A_582 = arith.constant dense<0.000000e+00> : vector<16x4096xf32>
    %dot_general3A_583 = tpu.matmul %convert_element_type3A_581, %get3A_60, %dot_general3A_582 {dimension_numbers = #tpu.dot_dimension_numbers<[1], [0], [0], [1], [0, 0, 1, 1], [], []>, transpose_lhs_hint = false} : vector<16x1024xbf16>, vector<1024x4096xbf16>, vector<16x4096xf32> -> vector<16x4096xf32>
    %add3A_584 = arith.addf %get3A_580, %dot_general3A_583 : vector<16x4096xf32>
    %slice3A_585 = vector.extract_strided_slice %add3A_584 {offsets = [0, 0], sizes = [16, 1024], strides = [1, 1]} : vector<16x4096xf32> to vector<16x1024xf32>
    %logistic3A_586 = arith.negf %slice3A_585 : vector<16x1024xf32>
    %logistic3A_587 = math.exp %logistic3A_586 : vector<16x1024xf32>
    %logistic3A_588 = arith.constant 1.000000e+00 : f32
    %logistic3A_589 = vector.broadcast %logistic3A_588 : f32 to vector<16x1024xf32>
    %logistic3A_590 = arith.addf %logistic3A_589, %logistic3A_587 : vector<16x1024xf32>
    %logistic3A_591 = arith.divf %logistic3A_589, %logistic3A_590 : vector<16x1024xf32>
    %slice3A_592 = vector.extract_strided_slice %add3A_584 {offsets = [0, 1024], sizes = [16, 1024], strides = [1, 1]} : vector<16x4096xf32> to vector<16x1024xf32>
    %logistic3A_593 = arith.negf %slice3A_592 : vector<16x1024xf32>
    %logistic3A_594 = math.exp %logistic3A_593 : vector<16x1024xf32>
    %logistic3A_595 = arith.constant 1.000000e+00 : f32
    %logistic3A_596 = vector.broadcast %logistic3A_595 : f32 to vector<16x1024xf32>
    %logistic3A_597 = arith.addf %logistic3A_596, %logistic3A_594 : vector<16x1024xf32>
    %logistic3A_598 = arith.divf %logistic3A_596, %logistic3A_597 : vector<16x1024xf32>
    %slice3A_599 = vector.extract_strided_slice %add3A_584 {offsets = [0, 2048], sizes = [16, 1024], strides = [1, 1]} : vector<16x4096xf32> to vector<16x1024xf32>
    %tanh3A_600 = math.tanh %slice3A_599 : vector<16x1024xf32>
    %slice3A_601 = vector.extract_strided_slice %add3A_584 {offsets = [0, 3072], sizes = [16, 1024], strides = [1, 1]} : vector<16x4096xf32> to vector<16x1024xf32>
    %logistic3A_602 = arith.negf %slice3A_601 : vector<16x1024xf32>
    %logistic3A_603 = math.exp %logistic3A_602 : vector<16x1024xf32>
    %logistic3A_604 = arith.constant 1.000000e+00 : f32
    %logistic3A_605 = vector.broadcast %logistic3A_604 : f32 to vector<16x1024xf32>
    %logistic3A_606 = arith.addf %logistic3A_605, %logistic3A_603 : vector<16x1024xf32>
    %logistic3A_607 = arith.divf %logistic3A_605, %logistic3A_606 : vector<16x1024xf32>
    %mul3A_608 = arith.mulf %logistic3A_598, %add3A_524 : vector<16x1024xf32>
    %mul3A_609 = arith.mulf %logistic3A_591, %tanh3A_600 : vector<16x1024xf32>
    %add3A_610 = arith.addf %mul3A_608, %mul3A_609 : vector<16x1024xf32>
    %tanh3A_611 = math.tanh %add3A_610 : vector<16x1024xf32>
    %mul3A_612 = arith.mulf %logistic3A_607, %tanh3A_611 : vector<16x1024xf32>
    %swap3A_613 = arith.constant 6 : index
    %swap3A_614 = arith.constant 0 : index
    %swap3A_615 = arith.constant 0 : index
    %swap3A_616 = vector.load %arg14[%swap3A_613, %swap3A_614, %swap3A_615] : memref<8x16x1024xf32, #tpu.memory_space<vmem>>, vector<1x16x1024xf32>
    %swap3A_617 = vector.shape_cast %swap3A_616 : vector<1x16x1024xf32> to vector<16x1024xf32>
    %swap3A_618 = vector.shape_cast %mul3A_612 : vector<16x1024xf32> to vector<1x16x1024xf32>
    tpu.vector_store %arg14[%swap3A_613, %swap3A_614, %swap3A_615], %swap3A_618 {strides = array<i32>} : memref<8x16x1024xf32, #tpu.memory_space<vmem>>, vector<1x16x1024xf32>,
    %get3A_619 = arith.constant 6 : index
    %get3A_620 = arith.constant 0 : index
    %get3A_621 = arith.constant 0 : index
    %get3A_622 = vector.load %arg13[%get3A_619, %get3A_620, %get3A_621] : memref<8x16x4096xf32, #tpu.memory_space<vmem>>, vector<1x16x4096xf32>
    %get3A_623 = vector.shape_cast %get3A_622 : vector<1x16x4096xf32> to vector<16x4096xf32>
    %convert_element_type3A_624 = arith.truncf %mul3A_569 : vector<16x1024xf32> to vector<16x1024xbf16>
    %dot_general3A_625 = arith.constant dense<0.000000e+00> : vector<16x4096xf32>
    %dot_general3A_626 = tpu.matmul %convert_element_type3A_624, %get3A_63, %dot_general3A_625 {dimension_numbers = #tpu.dot_dimension_numbers<[1], [0], [0], [1], [0, 0, 1, 1], [], []>, transpose_lhs_hint = false} : vector<16x1024xbf16>, vector<1024x4096xbf16>, vector<16x4096xf32> -> vector<16x4096xf32>
    %add3A_627 = arith.addf %get3A_623, %dot_general3A_626 : vector<16x4096xf32>
    %slice3A_628 = vector.extract_strided_slice %add3A_627 {offsets = [0, 0], sizes = [16, 1024], strides = [1, 1]} : vector<16x4096xf32> to vector<16x1024xf32>
    %logistic3A_629 = arith.negf %slice3A_628 : vector<16x1024xf32>
    %logistic3A_630 = math.exp %logistic3A_629 : vector<16x1024xf32>
    %logistic3A_631 = arith.constant 1.000000e+00 : f32
    %logistic3A_632 = vector.broadcast %logistic3A_631 : f32 to vector<16x1024xf32>
    %logistic3A_633 = arith.addf %logistic3A_632, %logistic3A_630 : vector<16x1024xf32>
    %logistic3A_634 = arith.divf %logistic3A_632, %logistic3A_633 : vector<16x1024xf32>
    %slice3A_635 = vector.extract_strided_slice %add3A_627 {offsets = [0, 1024], sizes = [16, 1024], strides = [1, 1]} : vector<16x4096xf32> to vector<16x1024xf32>
    %logistic3A_636 = arith.negf %slice3A_635 : vector<16x1024xf32>
    %logistic3A_637 = math.exp %logistic3A_636 : vector<16x1024xf32>
    %logistic3A_638 = arith.constant 1.000000e+00 : f32
    %logistic3A_639 = vector.broadcast %logistic3A_638 : f32 to vector<16x1024xf32>
    %logistic3A_640 = arith.addf %logistic3A_639, %logistic3A_637 : vector<16x1024xf32>
    %logistic3A_641 = arith.divf %logistic3A_639, %logistic3A_640 : vector<16x1024xf32>
    %slice3A_642 = vector.extract_strided_slice %add3A_627 {offsets = [0, 2048], sizes = [16, 1024], strides = [1, 1]} : vector<16x4096xf32> to vector<16x1024xf32>
    %tanh3A_643 = math.tanh %slice3A_642 : vector<16x1024xf32>
    %slice3A_644 = vector.extract_strided_slice %add3A_627 {offsets = [0, 3072], sizes = [16, 1024], strides = [1, 1]} : vector<16x4096xf32> to vector<16x1024xf32>
    %logistic3A_645 = arith.negf %slice3A_644 : vector<16x1024xf32>
    %logistic3A_646 = math.exp %logistic3A_645 : vector<16x1024xf32>
    %logistic3A_647 = arith.constant 1.000000e+00 : f32
    %logistic3A_648 = vector.broadcast %logistic3A_647 : f32 to vector<16x1024xf32>
    %logistic3A_649 = arith.addf %logistic3A_648, %logistic3A_646 : vector<16x1024xf32>
    %logistic3A_650 = arith.divf %logistic3A_648, %logistic3A_649 : vector<16x1024xf32>
    %mul3A_651 = arith.mulf %logistic3A_641, %add3A_567 : vector<16x1024xf32>
    %mul3A_652 = arith.mulf %logistic3A_634, %tanh3A_643 : vector<16x1024xf32>
    %add3A_653 = arith.addf %mul3A_651, %mul3A_652 : vector<16x1024xf32>
    %tanh3A_654 = math.tanh %add3A_653 : vector<16x1024xf32>
    %mul3A_655 = arith.mulf %logistic3A_650, %tanh3A_654 : vector<16x1024xf32>
    %swap3A_656 = arith.constant 6 : index
    %swap3A_657 = arith.constant 0 : index
    %swap3A_658 = arith.constant 0 : index
    %swap3A_659 = vector.load %arg15[%swap3A_656, %swap3A_657, %swap3A_658] : memref<8x16x1024xf32, #tpu.memory_space<vmem>>, vector<1x16x1024xf32>
    %swap3A_660 = vector.shape_cast %swap3A_659 : vector<1x16x1024xf32> to vector<16x1024xf32>
    %swap3A_661 = vector.shape_cast %mul3A_655 : vector<16x1024xf32> to vector<1x16x1024xf32>
    tpu.vector_store %arg15[%swap3A_656, %swap3A_657, %swap3A_658], %swap3A_661 {strides = array<i32>} : memref<8x16x1024xf32, #tpu.memory_space<vmem>>, vector<1x16x1024xf32>,
    %get3A_662 = arith.constant 7 : index
    %get3A_663 = arith.constant 0 : index
    %get3A_664 = arith.constant 0 : index
    %get3A_665 = vector.load %arg12[%get3A_662, %get3A_663, %get3A_664] : memref<8x16x4096xf32, #tpu.memory_space<vmem>>, vector<1x16x4096xf32>
    %get3A_666 = vector.shape_cast %get3A_665 : vector<1x16x4096xf32> to vector<16x4096xf32>
    %convert_element_type3A_667 = arith.truncf %mul3A_612 : vector<16x1024xf32> to vector<16x1024xbf16>
    %dot_general3A_668 = arith.constant dense<0.000000e+00> : vector<16x4096xf32>
    %dot_general3A_669 = tpu.matmul %convert_element_type3A_667, %get3A_60, %dot_general3A_668 {dimension_numbers = #tpu.dot_dimension_numbers<[1], [0], [0], [1], [0, 0, 1, 1], [], []>, transpose_lhs_hint = false} : vector<16x1024xbf16>, vector<1024x4096xbf16>, vector<16x4096xf32> -> vector<16x4096xf32>
    %add3A_670 = arith.addf %get3A_666, %dot_general3A_669 : vector<16x4096xf32>
    %slice3A_671 = vector.extract_strided_slice %add3A_670 {offsets = [0, 0], sizes = [16, 1024], strides = [1, 1]} : vector<16x4096xf32> to vector<16x1024xf32>
    %logistic3A_672 = arith.negf %slice3A_671 : vector<16x1024xf32>
    %logistic3A_673 = math.exp %logistic3A_672 : vector<16x1024xf32>
    %logistic3A_674 = arith.constant 1.000000e+00 : f32
    %logistic3A_675 = vector.broadcast %logistic3A_674 : f32 to vector<16x1024xf32>
    %logistic3A_676 = arith.addf %logistic3A_675, %logistic3A_673 : vector<16x1024xf32>
    %logistic3A_677 = arith.divf %logistic3A_675, %logistic3A_676 : vector<16x1024xf32>
    %slice3A_678 = vector.extract_strided_slice %add3A_670 {offsets = [0, 1024], sizes = [16, 1024], strides = [1, 1]} : vector<16x4096xf32> to vector<16x1024xf32>
    %logistic3A_679 = arith.negf %slice3A_678 : vector<16x1024xf32>
    %logistic3A_680 = math.exp %logistic3A_679 : vector<16x1024xf32>
    %logistic3A_681 = arith.constant 1.000000e+00 : f32
    %logistic3A_682 = vector.broadcast %logistic3A_681 : f32 to vector<16x1024xf32>
    %logistic3A_683 = arith.addf %logistic3A_682, %logistic3A_680 : vector<16x1024xf32>
    %logistic3A_684 = arith.divf %logistic3A_682, %logistic3A_683 : vector<16x1024xf32>
    %slice3A_685 = vector.extract_strided_slice %add3A_670 {offsets = [0, 2048], sizes = [16, 1024], strides = [1, 1]} : vector<16x4096xf32> to vector<16x1024xf32>
    %tanh3A_686 = math.tanh %slice3A_685 : vector<16x1024xf32>
    %slice3A_687 = vector.extract_strided_slice %add3A_670 {offsets = [0, 3072], sizes = [16, 1024], strides = [1, 1]} : vector<16x4096xf32> to vector<16x1024xf32>
    %logistic3A_688 = arith.negf %slice3A_687 : vector<16x1024xf32>
    %logistic3A_689 = math.exp %logistic3A_688 : vector<16x1024xf32>
    %logistic3A_690 = arith.constant 1.000000e+00 : f32
    %logistic3A_691 = vector.broadcast %logistic3A_690 : f32 to vector<16x1024xf32>
    %logistic3A_692 = arith.addf %logistic3A_691, %logistic3A_689 : vector<16x1024xf32>
    %logistic3A_693 = arith.divf %logistic3A_691, %logistic3A_692 : vector<16x1024xf32>
    %mul3A_694 = arith.mulf %logistic3A_684, %add3A_610 : vector<16x1024xf32>
    %mul3A_695 = arith.mulf %logistic3A_677, %tanh3A_686 : vector<16x1024xf32>
    %add3A_696 = arith.addf %mul3A_694, %mul3A_695 : vector<16x1024xf32>
    %tanh3A_697 = math.tanh %add3A_696 : vector<16x1024xf32>
    %mul3A_698 = arith.mulf %logistic3A_693, %tanh3A_697 : vector<16x1024xf32>
    %swap3A_699 = arith.constant 7 : index
    %swap3A_700 = arith.constant 0 : index
    %swap3A_701 = arith.constant 0 : index
    %swap3A_702 = vector.load %arg14[%swap3A_699, %swap3A_700, %swap3A_701] : memref<8x16x1024xf32, #tpu.memory_space<vmem>>, vector<1x16x1024xf32>
    %swap3A_703 = vector.shape_cast %swap3A_702 : vector<1x16x1024xf32> to vector<16x1024xf32>
    %swap3A_704 = vector.shape_cast %mul3A_698 : vector<16x1024xf32> to vector<1x16x1024xf32>
    tpu.vector_store %arg14[%swap3A_699, %swap3A_700, %swap3A_701], %swap3A_704 {strides = array<i32>} : memref<8x16x1024xf32, #tpu.memory_space<vmem>>, vector<1x16x1024xf32>,
    %get3A_705 = arith.constant 7 : index
    %get3A_706 = arith.constant 0 : index
    %get3A_707 = arith.constant 0 : index
    %get3A_708 = vector.load %arg13[%get3A_705, %get3A_706, %get3A_707] : memref<8x16x4096xf32, #tpu.memory_space<vmem>>, vector<1x16x4096xf32>
    %get3A_709 = vector.shape_cast %get3A_708 : vector<1x16x4096xf32> to vector<16x4096xf32>
    %convert_element_type3A_710 = arith.truncf %mul3A_655 : vector<16x1024xf32> to vector<16x1024xbf16>
    %dot_general3A_711 = arith.constant dense<0.000000e+00> : vector<16x4096xf32>
    %dot_general3A_712 = tpu.matmul %convert_element_type3A_710, %get3A_63, %dot_general3A_711 {dimension_numbers = #tpu.dot_dimension_numbers<[1], [0], [0], [1], [0, 0, 1, 1], [], []>, transpose_lhs_hint = false} : vector<16x1024xbf16>, vector<1024x4096xbf16>, vector<16x4096xf32> -> vector<16x4096xf32>
    %add3A_713 = arith.addf %get3A_709, %dot_general3A_712 : vector<16x4096xf32>
    %slice3A_714 = vector.extract_strided_slice %add3A_713 {offsets = [0, 0], sizes = [16, 1024], strides = [1, 1]} : vector<16x4096xf32> to vector<16x1024xf32>
    %logistic3A_715 = arith.negf %slice3A_714 : vector<16x1024xf32>
    %logistic3A_716 = math.exp %logistic3A_715 : vector<16x1024xf32>
    %logistic3A_717 = arith.constant 1.000000e+00 : f32
    %logistic3A_718 = vector.broadcast %logistic3A_717 : f32 to vector<16x1024xf32>
    %logistic3A_719 = arith.addf %logistic3A_718, %logistic3A_716 : vector<16x1024xf32>
    %logistic3A_720 = arith.divf %logistic3A_718, %logistic3A_719 : vector<16x1024xf32>
    %slice3A_721 = vector.extract_strided_slice %add3A_713 {offsets = [0, 1024], sizes = [16, 1024], strides = [1, 1]} : vector<16x4096xf32> to vector<16x1024xf32>
    %logistic3A_722 = arith.negf %slice3A_721 : vector<16x1024xf32>
    %logistic3A_723 = math.exp %logistic3A_722 : vector<16x1024xf32>
    %logistic3A_724 = arith.constant 1.000000e+00 : f32
    %logistic3A_725 = vector.broadcast %logistic3A_724 : f32 to vector<16x1024xf32>
    %logistic3A_726 = arith.addf %logistic3A_725, %logistic3A_723 : vector<16x1024xf32>
    %logistic3A_727 = arith.divf %logistic3A_725, %logistic3A_726 : vector<16x1024xf32>
    %slice3A_728 = vector.extract_strided_slice %add3A_713 {offsets = [0, 2048], sizes = [16, 1024], strides = [1, 1]} : vector<16x4096xf32> to vector<16x1024xf32>
    %tanh3A_729 = math.tanh %slice3A_728 : vector<16x1024xf32>
    %slice3A_730 = vector.extract_strided_slice %add3A_713 {offsets = [0, 3072], sizes = [16, 1024], strides = [1, 1]} : vector<16x4096xf32> to vector<16x1024xf32>
    %logistic3A_731 = arith.negf %slice3A_730 : vector<16x1024xf32>
    %logistic3A_732 = math.exp %logistic3A_731 : vector<16x1024xf32>
    %logistic3A_733 = arith.constant 1.000000e+00 : f32
    %logistic3A_734 = vector.broadcast %logistic3A_733 : f32 to vector<16x1024xf32>
    %logistic3A_735 = arith.addf %logistic3A_734, %logistic3A_732 : vector<16x1024xf32>
    %logistic3A_736 = arith.divf %logistic3A_734, %logistic3A_735 : vector<16x1024xf32>
    %mul3A_737 = arith.mulf %logistic3A_727, %add3A_653 : vector<16x1024xf32>
    %mul3A_738 = arith.mulf %logistic3A_720, %tanh3A_729 : vector<16x1024xf32>
    %add3A_739 = arith.addf %mul3A_737, %mul3A_738 : vector<16x1024xf32>
    %tanh3A_740 = math.tanh %add3A_739 : vector<16x1024xf32>
    %mul3A_741 = arith.mulf %logistic3A_736, %tanh3A_740 : vector<16x1024xf32>
    %swap3A_742 = arith.constant 7 : index
    %swap3A_743 = arith.constant 0 : index
    %swap3A_744 = arith.constant 0 : index
    %swap3A_745 = vector.load %arg15[%swap3A_742, %swap3A_743, %swap3A_744] : memref<8x16x1024xf32, #tpu.memory_space<vmem>>, vector<1x16x1024xf32>
    %swap3A_746 = vector.shape_cast %swap3A_745 : vector<1x16x1024xf32> to vector<16x1024xf32>
    %swap3A_747 = vector.shape_cast %mul3A_741 : vector<16x1024xf32> to vector<1x16x1024xf32>
    tpu.vector_store %arg15[%swap3A_742, %swap3A_743, %swap3A_744], %swap3A_747 {strides = array<i32>} : memref<8x16x1024xf32, #tpu.memory_space<vmem>>, vector<1x16x1024xf32>,
    %swap3A_748 = arith.constant 0 : index
    %swap3A_749 = arith.constant 0 : index
    %swap3A_750 = vector.load %arg16[%swap3A_748, %swap3A_749] : memref<16x1024xf32, #tpu.memory_space<vmem>>, vector<16x1024xf32>
    tpu.vector_store %arg16[%swap3A_748, %swap3A_749], %mul3A_698 {strides = array<i32>} : memref<16x1024xf32, #tpu.memory_space<vmem>>, vector<16x1024xf32>,
    %swap3A_751 = arith.constant 0 : index
    %swap3A_752 = arith.constant 0 : index
    %swap3A_753 = vector.load %arg17[%swap3A_751, %swap3A_752] : memref<16x1024xf32, #tpu.memory_space<vmem>>, vector<16x1024xf32>
    tpu.vector_store %arg17[%swap3A_751, %swap3A_752], %add3A_696 {strides = array<i32>} : memref<16x1024xf32, #tpu.memory_space<vmem>>, vector<16x1024xf32>,
    %gt3A = arith.constant 0 : i32
    %gt3A_754 = arith.cmpi sgt, %arg0, %gt3A : i32
    %convert_element_type3A_755 = arith.extui %gt3A_754 : i1 to i32
    %cond3A_756 = arith.constant 0 : i32
    %cond3A_757 = arith.cmpi ne, %convert_element_type3A_755, %cond3A_756 : i32
    scf.if %cond3A_757 {
      %swap3A_779 = arith.constant 0 : index
      %swap3A_780 = arith.constant 0 : index
      %swap3A_781 = vector.load %arg18[%swap3A_779, %swap3A_780] : memref<16x1024xf32, #tpu.memory_space<vmem>>, vector<16x1024xf32>
      tpu.vector_store %arg18[%swap3A_779, %swap3A_780], %mul3A_741 {strides = array<i32>} : memref<16x1024xf32, #tpu.memory_space<vmem>>, vector<16x1024xf32>,
      %swap3A_782 = arith.constant 0 : index
      %swap3A_783 = arith.constant 0 : index
      %swap3A_784 = vector.load %arg19[%swap3A_782, %swap3A_783] : memref<16x1024xf32, #tpu.memory_space<vmem>>, vector<16x1024xf32>
      tpu.vector_store %arg19[%swap3A_782, %swap3A_783], %add3A_739 {strides = array<i32>} : memref<16x1024xf32, #tpu.memory_space<vmem>>, vector<16x1024xf32>,
    } else {
    }
    %get3A_758 = arith.constant 0 : index
    %get3A_759 = arith.constant 0 : index
    %get3A_760 = arith.constant 0 : index
    %get3A_761 = vector.load %arg15[%get3A_758, %get3A_759, %get3A_760] : memref<8x16x1024xf32, #tpu.memory_space<vmem>>, vector<8x16x1024xf32>
    %reshape3A_762 = vector.shape_cast %get3A_761 : vector<8x16x1024xf32> to vector<128x1024xf32>
    %convert_element_type3A_763 = arith.truncf %reshape3A_762 : vector<128x1024xf32> to vector<128x1024xbf16>
    %get3A_764 = arith.constant 0 : index
    %get3A_765 = arith.constant 0 : index
    %get3A_766 = vector.load %arg9[%get3A_764, %get3A_765] : memref<1024x512xbf16, #tpu.memory_space<vmem>>, vector<1024x512xbf16>
    %dot_general3A_767 = arith.constant dense<0.000000e+00> : vector<128x512xf32>
    %dot_general3A_768 = tpu.matmul %convert_element_type3A_763, %get3A_766, %dot_general3A_767 {dimension_numbers = #tpu.dot_dimension_numbers<[1], [0], [0], [1], [0, 0, 1, 1], [], []>, transpose_lhs_hint = false} : vector<128x1024xbf16>, vector<1024x512xbf16>, vector<128x512xf32> -> vector<128x512xf32>
    %get3A_769 = arith.constant 0 : index
    %get3A_770 = arith.constant 0 : index
    %get3A_771 = vector.load %arg10[%get3A_769, %get3A_770] : memref<1x512xf32, #tpu.memory_space<vmem>>, vector<1x512xf32>
    %add3A_772 = vector.broadcast %get3A_771 : vector<1x512xf32> to vector<128x512xf32>
    %add3A_773 = arith.addf %dot_general3A_768, %add3A_772 : vector<128x512xf32>
    %reshape3A_774 = vector.shape_cast %add3A_773 : vector<128x512xf32> to vector<8x16x512xf32>
    %swap3A_775 = arith.constant 0 : index
    %swap3A_776 = arith.constant 0 : index
    %swap3A_777 = arith.constant 0 : index
    %swap3A_778 = vector.load %arg11[%swap3A_775, %swap3A_776, %swap3A_777] : memref<8x16x512xf32, #tpu.memory_space<vmem>>, vector<8x16x512xf32>
    tpu.vector_store %arg11[%swap3A_775, %swap3A_776, %swap3A_777], %reshape3A_774 {strides = array<i32>} : memref<8x16x512xf32, #tpu.memory_space<vmem>>, vector<8x16x512xf32>,
    return
  }
  func.func @transform_0(%arg0: i32) -> (i32, i32) {
    %min3A = arith.constant 127 : i32
    %min3A_0 = arith.minsi %arg0, %min3A : i32
    %c0_i32 = arith.constant 0 : i32
    %c0_i32_1 = arith.constant 0 : i32
    return %min3A_0, %c0_i32 : i32, i32
  }
  func.func @transform_1(%arg0: i32) -> (i32, i32) {
    %c0_i32 = arith.constant 0 : i32
    %c0_i32_0 = arith.constant 0 : i32
    %c0_i32_1 = arith.constant 0 : i32
    return %c0_i32, %c0_i32_0 : i32, i32
  }
  func.func @transform_2(%arg0: i32) -> (i32, i32) {
    %c0_i32 = arith.constant 0 : i32
    %c0_i32_0 = arith.constant 0 : i32
    %c0_i32_1 = arith.constant 0 : i32
    return %c0_i32, %c0_i32_0 : i32, i32
  }
  func.func @transform_3(%arg0: i32) -> (i32, i32) {
    %c0_i32 = arith.constant 0 : i32
    %c0_i32_0 = arith.constant 0 : i32
    %c0_i32_1 = arith.constant 0 : i32
    return %c0_i32, %c0_i32_0 : i32, i32
  }
  func.func @transform_4(%arg0: i32) -> (i32, i32) {
    %c0_i32 = arith.constant 0 : i32
    %c0_i32_0 = arith.constant 0 : i32
    %c0_i32_1 = arith.constant 0 : i32
    return %c0_i32, %c0_i32_0 : i32, i32
  }
  func.func @transform_5(%arg0: i32) -> (i32, i32) {
    %c0_i32 = arith.constant 0 : i32
    %c0_i32_0 = arith.constant 0 : i32
    %c0_i32_1 = arith.constant 0 : i32
    return %c0_i32, %c0_i32_0 : i32, i32
  }
  func.func @transform_6(%arg0: i32) -> (i32, i32) {
    %c0_i32 = arith.constant 0 : i32
    %c0_i32_0 = arith.constant 0 : i32
    %c0_i32_1 = arith.constant 0 : i32
    return %c0_i32, %c0_i32_0 : i32, i32
  }
  func.func @transform_7(%arg0: i32) -> (i32, i32) {
    %c0_i32 = arith.constant 0 : i32
    %c0_i32_0 = arith.constant 0 : i32
    %c0_i32_1 = arith.constant 0 : i32
    return %c0_i32, %c0_i32_0 : i32, i32
  }
  func.func @transform_8(%arg0: i32) -> (i32, i32) {
    %c0_i32 = arith.constant 0 : i32
    %c0_i32_0 = arith.constant 0 : i32
    %c0_i32_1 = arith.constant 0 : i32
    return %c0_i32, %c0_i32_0 : i32, i32
  }
  func.func @transform_9(%arg0: i32) -> (i32, i32) {
    %c0_i32 = arith.constant 0 : i32
    %c0_i32_0 = arith.constant 0 : i32
    %c0_i32_1 = arith.constant 0 : i32
    return %c0_i32, %c0_i32_0 : i32, i32
  }
  func.func @transform_10(%arg0: i32) -> (i32, i32, i32) {
    %sub3A = arith.constant 1 : i32
    %sub3A_0 = arith.subi %arg0, %sub3A : i32
    %max3A = arith.constant 0 : i32
    %max3A_1 = arith.maxsi %sub3A_0, %max3A : i32
    %c0_i32 = arith.constant 0 : i32
    %c0_i32_2 = arith.constant 0 : i32
    %c0_i32_3 = arith.constant 0 : i32
    return %max3A_1, %c0_i32, %c0_i32_2 : i32, i32, i32
  }
}

</mosaic_0001>

<sc_bundles>
// kernel: sparse-core-data-format-call.cloned.1.call-start
scs
called_computation_lowered:
.L_overlay_start_0:
0x0: {  	s2 =	sld [smem:$0x3FD9]  }
0x1: {  	s3 =	sld [smem:$0x3FFE];
	_ =	sdelay $0x1  }
0x2: {  	s1 =	srdreg.scid  }
0x3: {  	s0 =	sand.u32 $0x1, s1  }
0x4: {  	s18 =	sshll.u32 s0, $0xA;
	s2 =	sadd.s32 s3, s2  }
0x5: {  	s2 =	sadd.s32 s2, s18  }
0x6: {  	[smem:$0x3FBE] =	sst s2  }
0x7: {  	_ = 	snop  }
0x8: {  	s2 =	sld [smem:$0x3FD0];
	(tm) =	ssettm $0x1  }
0x9: {  	s19 =	sld [smem:$0x3FFB];
	_ =	sdelay $0x3  }
0xa: {  	_ =	strace s19  }
0xb: {  	s3 =	sld [smem:$0x3FFC];
	_ =	sdelay $0x3  }
0xc: {  	_ =	strace s3  }
0xd: {  	s3 =	sld [smem:$0x3FFD];
	_ =	sdelay $0x3  }
0xe: {  	_ =	strace s3  }
0xf: {  	_ =	strace $0x8FFFFFFF  }
0x10: {  	s20 =	sld [smem:$0x3FDB];
	_ =	sdelay $0x1  }
0x11: {  	s4 =	simm.s32 $_scs_section_size  }
0x12: {  	s5 =	simm.s32 $_size__tile_overlayer_lowered;
	s6 =	simm.s32 $_tile_overlayer_lowered  }
0x13: {  	s23 =	simm.s32 $0x1BFF;
	s22 =	sshll.u32 s6, $0x1;
	s3 =	sadd.s32 s4, s20  }
0x14: {  	s7 =	simm.s32 $0x0;
	s21 =	sshll.u32 s5, $0x1;
	s5 =	sadd.s32 s22, s3  }
0x15: {  	[timem:s7], [sflag:s23] =	dma.local [hbm:s5], s21  }
0x16: {  	_ =	swait.ge [sflag:s23], s21  }
0x17: {  	s4 =	ssub.s32 $0x0, s21;
	[sflag:s23] =	ssyncset.done $0x0  }
0x18: {  	[sflag:s23] =	ssyncadd.s32 s4;
	_ =	sdelay $0x1  }
0x19: {  	s24 =	simm.s32 $0x1B8B  }
0x1a: {  	_ =	swait.ge [sflag:s24], $0x1  }
0x1b: {  	[sflag:s24] =	ssyncset.done $0x0  }
0x1c: {  	s26 =	simm.s32 $0x1B8E;
	s25 =	sld [smem:$0x3FFE];
	[sflag:s24] =	ssyncadd.s32 $0xFFFFFFFF  }
0x1d: {  	s27 =	simm.s32 $execute0_lowered;
	[smem:$0x3FD2] =	sst s26  }
0x1e: {  	s5 =	sshll.u32 s27, $0x1;
	_ =	strace $0x80000046;
	[dreg:$0x1] =	wrdreg $0xFFFFFFFF  }
0x1f: {  	s28 =	simm.s32 $_size_execute0_lowered;
	s3 =	sadd.s32 s3, s5;
	[dreg:$0x0] =	wrdreg $0x0  }
0x20: {  	s5 =	sshll.u32 s28, $0x1;
	[dreg:$0x2] =	wrdreg s3  }
0x21: {  	[dreg:$0x3] =	wrdreg s5  }
0x22: {  	[dreg:$0x4] =	wrdreg $0xC0  }
0x23: {  	_ =	task [dreg:s7], $0x5FFFF  }
0x24: {  	[dreg:$0x1] =	wrdreg $0xFFFFFFFF  }
0x25: {  	[dreg:$0x0] =	wrdreg $0x60  }
0x26: {  	[dreg:$0x2] =	wrdreg s25  }
0x27: {  	[dreg:$0x3] =	wrdreg s2  }
0x28: {  	[dreg:$0x4] =	wrdreg $0x9  }
0x29: {  	_ =	task.clear_ibuf [dreg:s7], $0x5FFFF;
	_ =	strace $0x90000046  }
0x2a: {  	s29 =	simm.s32 $0x9;
	_ =	strace $0x80000048  }
0x2b: {  	_ =	swait.ge [sflag:s29], $0x1  }
0x2c: {  	[sflag:s29] =	ssyncadd.s32 $0xFFFFFFFF  }
0x2d: {  	_ =	strace $0x90000048  }
0x2e: {  	_ =	sfence  }
0x2f: {  	s30 =	sld [smem:$0x0];
	_ =	sdelay $0x2  }
0x30: {  	s31 =	sshll.u32 s1, $0xD;
	s1 =	sshrl.u32 s1, $0x2  }
0x31: {  	s3 =	sand.u32 $0x4000, s31;
	s1 =	sadd.s32 s1, s30  }
0x32: {  	s0 =	sor.u32 s3, s0;
	s1 =	sshll.u32 s1, $0x11  }
0x33: {  	s0 =	sor.u32 s1, s0  }
0x34: {  	s0 =	sadd.s32 $0x8F2B, s0  }
0x35: {  	[sflag:s0] =	ssyncadd.remote.s32 $0x1  }
0x36: {  	_ =	sfence.sel $0xFFFF  }
0x37: {  	[dreg:$0x0] =	wrdreg $0xFFFFFFFF;
	(pc) =	sbr.abs _section_cstart, $3  }
0x38: {  	[dreg:$0x1] =	wrdreg $0xFFFFFFFF  }
0x39: {  	_ =	task.clear_ibuf [dreg:s7], $0x2FFFF;
	_ =	strace $0x9FFFFFFF  }
0x3a: {  	(tm) =	ssettm $0x7FFFFFFF  }
0x3b: {  	_ =	shalt  }
tec
execute0_lowered:
.L_overlay_start_1:
0x0: {  	(tag) =	ssettag $0x1  }
0x1: {  	s0 =	srdreg.scid;
	s5 =	rddreg [dreg:$0x0]  }
0x2: {  	s3 =	rddreg [dreg:$0x1];
	s7 =	simm.s32 $0x1;
	s1 =	sshll.u32 s0, $0x4  }
0x3: {  	s8 =	simm.s32 $0x2;
	s0 =	stileid.u32;
	s1 =	sand.u32 $0x10, s1  }
0x4: {  	s14 =	simm.s32 $0x0;
	s9 =	simm.s32 $0x0;
	s1 =	sor.u32 s0, s1  }
0x5: {  	s15 =	simm.s32 $0x0;
	s16 =	simm.s32 $0x0;
	s2 =	sshll.u32 s1, $0x3  }
0x6: {  	s10 =	simm.s32 $0x0;
	s11 =	simm.s32 $0x0;
	s6 =	ssub.s32 $0x400, s2  }
0x7: {  	s13 =	simm.s32 $0x0;
	s22 =	simm.s32 $0x0;
	s4 =	sand.u32 $0xF8, s6  }
.Ltmp0:
0x8: {  	s5 =	sadd.s32 $0xC00, s5;
	p0 =	sne.s32 s4, $0x0;
	(pc) =	sbr.rel .LBB1_1-.Ltmp0, $4  }
0x9: {  	s1 =	rddreg [dreg:$0x2];
	s6 =	sshrl.u32 s6, $0x8;
	s7 =	simm.s32 @!p0 $0x0  }
0xa: {  	_ =	strace $0x80000047;
	s4 =	simm.s32 $0x1;
	s6 =	sadd.s32 s7, s6  }
0xb: {  	s12 =	smov.u32 s2;
	[sflag:s4] =	ssyncpa.u1 $0x0;
	s6 =	sshll.u32 s6, $0x2  }
0xc: {  	[sflag:s8] =	ssyncpa.u1 $0x0;
	s8 =	simm.s32 $0x80000;
	s7 =	sor.u32 $0x1, s6  }
.LBB1_7:
0xd: {  	s17 =	sadd.s32 $0x100, s10  }
0xe: {  	s14 =	sadd.s32 $0x8, s11;
	s18 =	smov.u32 s11;
	p1 =	sgt.s32 s17, $0x1FF  }
0xf: {  	s18 =	smov.u32 @p1 s14  }
0x10: {  	s20 =	smov.u32 s12;
	s14 =	sadd.s32 $0x100, s12;
	p2 =	sgt.s32 s18, $0xF  }
0x11: {  	s20 =	smov.u32 @p2 s14  }
0x12: {  	s17 =	simm.s32 @p1 $0x0;
	p1 =	sgt.s32 s20, $0x3FF  }
0x13: {  	p0 =	slt.u32 s13, $0x2;
	s20 =	smov.u32 @p1 s2;
	p1 =	sne.s32 s13, s7  }
.Ltmp1:
0x14: {  	s19 =	simm.s32 @!p0 $0x2;
	(pc) =	sbr.rel @!p1 .LBB1_8-.Ltmp1, $4  }
0x15: {  	s15 =	smov.u32 s11;
	s16 =	smov.u32 s12;
	_ =	swait.ge @!p0 [sflag:s19], $0x4000  }
0x16: {  	s9 =	sadd.s32 $0x4000, s9;
	[sflag:s19] =	ssyncset.done @!p0 $0x0;
	s18 =	simm.s32 @p2 $0x0  }
0x17: {  	s14 =	smov.u32 s10;
	[sflag:s19] =	ssyncadd.s32 @!p0 $0xFFFFC000;
	s10 =	smov.u32 s17  }
0x18: {  	s11 =	smov.u32 s18;
	s13 =	sadd.s32 $0x1, s13;
	s12 =	smov.u32 s20  }
.LBB1_1:
0x19: {  	p0 =	sge.u32 s13, s6  }
0x1a: {  	s31 =	sadd.s32 $0xFFFFFFFF, s13;
	s17 =	sxor.u32 @!p0 $0xFFFFFFFF, s13  }
0x1b: {  	s18 =	sshll.u32 @!p0 s11, $0x9;
	s19 =	sshll.u32 @!p0 s10, $0x3;
	s20 =	sshll.u32 @!p0 s11, $0x7  }
0x1c: {  	s21 =	sand.u32 @!p0 $0x78, s10;
	s18 =	sand.u32 @!p0 $0x1000, s18;
	s19 =	sand.u32 @!p0 $0x1C00, s19  }
0x1d: {  	s17 =	sshll.u32 @!p0 s17, $0xE;
	s18 =	sadd.s32 @!p0 s18, s19;
	s19 =	sand.u32 @!p0 $0x200, s20  }
0x1e: {  	s17 =	sand.u32 @!p0 $0x4000, s17;
	s18 =	sor.u32 @!p0 s19, s18;
	s19 =	sand.u32 @!p0 $0x180, s20  }
0x1f: {  	s20 =	sshll.u32 @!p0 s12, $0xA;
	s19 =	sor.u32 @!p0 s21, s19;
	s18 =	sshrl.u32 @!p0 s18, $0x3  }
0x20: {  	s20 =	sadd.s32 @!p0 s5, s20;
	s21 =	sand.u32 @!p0 $0x7, s10;
	s19 =	sshrl.u32 @!p0 s19, $0x3  }
0x21: {  	s18 =	sand.u32 @!p0 $0x3C0, s18;
	s19 =	sadd.s32 @!p0 s19, s20;
	s20 =	sshll.u32 @!p0 s21, $0x12  }
0x22: {  	s18 =	sadd.s32 @!p0 s18, s19;
	s19 =	sor.u32 @!p0 $0x800, s20;
	s20 =	simm.s32 @!p0 $0x2000  }
0x23: {  	[tilespmem:s17], [sflag:$0x1] =	stream.strided.gather @!p0 [hbm4b:s18+s19], $0x4000, s20, s19, $0x38;
	[tilespmem:$0x10000] =	vst v63  }
0x24: {  	p0 =	sge.u32 s31, s6  }
.Ltmp2:
0x25: {  	_ = 	snop;
	(pc) =	sbr.rel @p0 .LBB1_7-.Ltmp2, $1  }
0x26: {  	_ =	sdelay $0x3  }
0x27: {  	s17 =	sshll.u32 s9, $0x2;
	_ =	swait.ge [sflag:s4], $0x4000;
	s31 =	sshll.u32 s13, $0xE  }
0x28: {  	p0 =	por $0x0, $0x0;
	s23 =	simm.s32 $0x0;
	s24 =	simm.s32 $0x0  }
0x29: {  	s17 =	sand.u32 $0x10000, s17;
	[sflag:s4] =	ssyncset.done $0x0;
	s20 =	sand.u32 $0x4000, s31  }
0x2a: {  	s21 =	sshrl.u32 s17, $0x2;
	[sflag:s4] =	ssyncadd.s32 $0xFFFFC000;
	s17 =	sor.u32 $0x8000, s20  }
0x2b: {  	s18 =	sor.u32 $0x40, s21;
	s19 =	sor.u32 $0x8410, s21;
	s21 =	sadd.s32 $0x8400, s21  }
.LBB1_3:
0x2c: {  	v1 =	vld [tilespmem:s18+$0xFFFFFFD0]  }
0x2d: {  	v2 =	vld [tilespmem:s18+$0x430]  }
0x2e: {  	s25 =	sshll.u32 s24, $0xB;
	v4 =	vld [tilespmem:s18+$0xFFFFFFE0]  }
0x2f: {  	v7 =	vld [tilespmem:s18+$0xFFFFFFF0];
	v0 =	vmov s25  }
0x30: {  	v8 =	vld [tilespmem:s18+$0x0]  }
0x31: {  	s31 =	sand.u32 $0x300, s22;
	v9 =	vld [tilespmem:s18+$0x10]  }
0x32: {  	s26 =	sand.u32 $0x80, s22;
	v10 =	vld [tilespmem:s18+$0x20];
	s25 =	sadd.s32 s31, s20  }
0x33: {  	v11 =	vld [tilespmem:s18+$0x30];
	s25 =	sadd.s32 s26, s25;
	s26 =	simm.s32 $0x1;
	[tilespmem:s19+$0x60] =	vst v2  }
0x34: {  	s31 =	sshll.u32 s23, $0x2;
	s26 =	simm.s32 @!p0 $0x0;
	[tilespmem:s19+$0xFFFFFC00] =	vst v1;
	v3 =	vld.idx.msk [tilespmem:v0+s25+$0x400 ss:$0x1], $0xffff  }
0x35: {  	v6 =	vld [tilespmem:s18+$0x3D0];
	s26 =	sshll.u32 s26, $0x9;
	[tilespmem:s19+$0xFFFFFC10] =	vst v4;
	s25 =	sand.u32 $0xFFFFFC00, s31  }
0x36: {  	v5 =	vld [tilespmem:s18+$0x3E0];
	[tilespmem:s19+$0xFFFFFC20] =	vst v7;
	s25 =	sor.u32 s26, s25  }
0x37: {  	[tilespmem:s19+$0xFFFFFC30] =	vst v8;
	v4 =	vld [tilespmem:s18+$0x400];
	s25 =	sshrl.u32 s25, $0x2  }
0x38: {  	[tilespmem:s19+$0xFFFFFC40] =	vst v9;
	v1 =	vld [tilespmem:s18+$0x410];
	s25 =	sadd.s32 s25, s21  }
0x39: {  	[tilespmem:s25+$0x0] =	vst v3;
	v3 =	vld [tilespmem:s18+$0x3F0]  }
0x3a: {  	s29 =	simm.s32 $0x80;
	s28 =	simm.s32 $0x100;
	[tilespmem:s19+$0xFFFFFC50] =	vst v10;
	v2 =	vld [tilespmem:s18+$0x420]  }
0x3b: {  	s27 =	smov.u32 s19;
	s30 =	sand.u32 $0x300, s29;
	v7 =	vld [tilespmem:s18+$0xFFFFFFC0];
	[tilespmem:s19+$0xFFFFFC60] =	vst v11;
	s26 =	sadd.s32 $0x80, s18  }
.LBB1_4:
0x3c: {  	p1 =	sne.s32 s28, $0x380;
	v8 =	vld [tilespmem:s26+$0xFFFFFFD0];
	s29 =	sand.u32 $0x80, s29;
	s30 =	sadd.s32 s30, s20;
	[tilespmem:s27+$0x0] =	vst v6  }
0x3d: {  	s30 =	sadd.s32 s29, s30;
	v6 =	vld [tilespmem:s26+$0x430];
	[tilespmem:s27+$0x10] =	vst v5;
	s29 =	smov.u32 s28  }
0x3e: {  	v5 =	vld.idx.msk [tilespmem:v0+s30+$0x400 ss:$0x1], $0xffff;
	[tilespmem:s27+$0x20] =	vst v3  }
0x3f: {  	v3 =	vld [tilespmem:s26+$0xFFFFFFE0];
	[tilespmem:s27+$0x30] =	vst v4  }
0x40: {  	v4 =	vld [tilespmem:s26+$0xFFFFFFF0];
	[tilespmem:s27+$0xFFFFFBF0] =	vst v7  }
0x41: {  	v7 =	vld [tilespmem:s26+$0x0];
	[tilespmem:s27+$0x40] =	vst v1  }
0x42: {  	v1 =	vld [tilespmem:s26+$0x10];
	[tilespmem:s27+$0x50] =	vst v2;
	s27 =	sadd.s32 $0x800, s27  }
0x43: {  	s25 =	sadd.s32 $0x800, s25;
	v2 =	vld [tilespmem:s26+$0x20];
	[tilespmem:s27+$0x60] =	vst v6  }
0x44: {  	v9 =	vld [tilespmem:s26+$0x30];
	[tilespmem:s25+$0x0] =	vst v5  }
0x45: {  	[tilespmem:s27+$0xFFFFFC00] =	vst v8;
	v6 =	vld [tilespmem:s26+$0x3D0]  }
0x46: {  	[tilespmem:s27+$0xFFFFFC10] =	vst v3;
	v5 =	vld [tilespmem:s26+$0x3E0]  }
.Ltmp3:
0x47: {  	[tilespmem:s27+$0xFFFFFC20] =	vst v4;
	v3 =	vld [tilespmem:s26+$0x3F0];
	(pc) =	sbr.rel @p1 .LBB1_4-.Ltmp3, $4  }
0x48: {  	[tilespmem:s27+$0xFFFFFC30] =	vst v7;
	v4 =	vld [tilespmem:s26+$0x400]  }
0x49: {  	[tilespmem:s27+$0xFFFFFC40] =	vst v1;
	v1 =	vld [tilespmem:s26+$0x410]  }
0x4a: {  	[tilespmem:s27+$0xFFFFFC50] =	vst v2;
	v2 =	vld [tilespmem:s26+$0x420]  }
0x4b: {  	s28 =	sadd.s32 $0x80, s28;
	s30 =	sand.u32 $0x300, s29;
	v7 =	vld [tilespmem:s26+$0xFFFFFFC0];
	[tilespmem:s27+$0xFFFFFC60] =	vst v9;
	s26 =	sadd.s32 $0x80, s26  }
0x4c: {  	[tilespmem:s27+$0x0] =	vst v6  }
0x4d: {  	[tilespmem:s27+$0x10] =	vst v5  }
0x4e: {  	v49 =	vld [tilespmem:s26+$0x430];
	[tilespmem:s27+$0x20] =	vst v3  }
0x4f: {  	v50 =	vld [tilespmem:s26+$0xFFFFFFD0];
	[tilespmem:s27+$0x30] =	vst v4  }
0x50: {  	v51 =	vld [tilespmem:s26+$0xFFFFFFE0];
	[tilespmem:s27+$0x40] =	vst v1  }
0x51: {  	v52 =	vld [tilespmem:s26+$0xFFFFFFF0];
	[tilespmem:s27+$0x50] =	vst v2  }
0x52: {  	s31 =	sadd.s32 $0x800, s27;
	v53 =	vld [tilespmem:s26+$0x0];
	[tilespmem:s27+$0xFFFFFBF0] =	vst v7  }
0x53: {  	v54 =	vld [tilespmem:s26+$0x10];
	[tilespmem:s31+$0x60] =	vst v49  }
0x54: {  	v55 =	vld [tilespmem:s26+$0x20];
	[tilespmem:s31+$0xFFFFFC00] =	vst v50  }
0x55: {  	v56 =	vld [tilespmem:s26+$0x30];
	[tilespmem:s31+$0xFFFFFC10] =	vst v51  }
0x56: {  	v57 =	vld [tilespmem:s26+$0x3D0];
	[tilespmem:s31+$0xFFFFFC20] =	vst v52  }
0x57: {  	v58 =	vld [tilespmem:s26+$0x3E0];
	[tilespmem:s31+$0xFFFFFC30] =	vst v53  }
0x58: {  	v59 =	vld [tilespmem:s26+$0x3F0];
	[tilespmem:s31+$0xFFFFFC40] =	vst v54  }
0x59: {  	v60 =	vld [tilespmem:s26+$0x400];
	[tilespmem:s31+$0xFFFFFC50] =	vst v55  }
0x5a: {  	v61 =	vld [tilespmem:s26+$0xFFFFFFC0];
	[tilespmem:s31+$0xFFFFFC60] =	vst v56  }
0x5b: {  	s28 =	sand.u32 $0x80, s29;
	s30 =	sadd.s32 s30, s20;
	v62 =	vld [tilespmem:s26+$0x410];
	[tilespmem:s31+$0x0] =	vst v57  }
0x5c: {  	v63 =	vld [tilespmem:s26+$0x420];
	s24 =	sadd.s32 $0x1, s24;
	s28 =	sadd.s32 s28, s30;
	[tilespmem:s31+$0x10] =	vst v58  }
0x5d: {  	p1 =	sne.s32 s24, $0x8;
	v0 =	vld.idx.msk [tilespmem:v0+s28+$0x400 ss:$0x1], $0xffff;
	[tilespmem:s31+$0x20] =	vst v59  }
.Ltmp4:
0x5e: {  	[tilespmem:s31+$0x30] =	vst v60;
	(pc) =	sbr.rel @p1 .LBB1_3-.Ltmp4, $4  }
0x5f: {  	[tilespmem:s31+$0xFFFFFBF0] =	vst v61  }
0x60: {  	[tilespmem:s31+$0x40] =	vst v62  }
0x61: {  	s25 =	sadd.s32 $0x800, s25;
	s18 =	sadd.s32 $0x800, s18;
	[tilespmem:s31+$0x50] =	vst v63  }
0x62: {  	s23 =	sadd.s32 $0x80, s23;
	p0 =	por !p0, !p0;
	s19 =	sadd.s32 $0x80, s19;
	[tilespmem:s25+$0x0] =	vst v0  }
0x63: {  	s18 =	sshll.u32 s16, $0x9;
	s19 =	sshll.u32 s14, $0x3  }
0x64: {  	s29 =	sshll.u32 s16, $0x7;
	s20 =	sand.u32 $0x78, s14;
	s15 =	sshll.u32 s15, $0x10  }
0x65: {  	s31 =	sand.u32 $0x7, s14;
	s18 =	sand.u32 $0x7F000, s18;
	s19 =	sand.u32 $0x7FC00, s19  }
0x66: {  	s30 =	sand.u32 $0x200, s29;
	s16 =	sand.u32 $0x180, s29;
	s18 =	sadd.s32 s18, s19  }
.Ltmp5:
0x67: {  	s16 =	sor.u32 s16, s20;
	s18 =	sor.u32 s30, s18;
	(pc) =	sbr.rel .LBB1_7-.Ltmp5, $4  }
0x68: {  	s15 =	sadd.s32 s3, s15;
	s16 =	sshrl.u32 s16, $0x3;
	s18 =	sshrl.u32 s18, $0x3  }
0x69: {  	s14 =	sshll.u32 s31, $0x12;
	s15 =	sadd.s32 s16, s15;
	s18 =	sand.u32 $0xFFC0, s18  }
0x6a: {  	s14 =	sor.u32 $0x800, s14;
	s15 =	sadd.s32 s18, s15  }
0x6b: {  	[hbm4b:s15+s14] =	stream.strided.scatter [tilespmem:s17], [sflag:$0x2], $0x4000, s8, s14, $0x38;
	[tilespmem:$0x10000] =	vst v63  }
.LBB1_8:
0x6c: {  	_ =	sfence.sel $0x180000  }
0x6d: {  	s2 =	simm.s32 $0x1;
	[bflag:$0x0] =	sbarrier.arrive $0xFFFF  }
0x6e: {  	s31 =	simm.s32 $0x2;
	[sflag:s2] =	ssyncpa.u1 $0x1  }
0x6f: {  	[sflag:s31] =	ssyncpa.u1 $0x1  }
0x70: {  	p0 =	sne.s32 s0, $0x0;
	_ =	strace $0x90000047  }
0x71: {  	s0 =	sadd.s32 @!p0 $0x100000, s1;
	[bflag:$0x2] =	sbarrier.arrive $0xFFFF  }
0x72: {  	[sflag:s0] =	ssyncadd.tile.s32 @!p0 $0x1;
	_ =	shalt  }
.Lfunc_end1:
_tile_overlayer_lowered:
.L_overlay_start_2:
0x73: {  	(tag) =	ssettag $0x2  }
0x74: {  	s0 =	rddreg [dreg:$0x0];
	s2 =	stileid.u32  }
0x75: {  	s1 =	rddreg [dreg:$0x1];
	p0 =	sne.s32 s2, $0x0  }
0x76: {  	s3 =	rddreg [dreg:$0x2];
	[bflag:$0x3] =	sbarrier.arrive $0xFFFF;
	s2 =	simm.s32 @!p0 $0x1C01  }
0x77: {  	[timem:s3], [sflag:s2] =	dma.local @!p0 [hbm:s0], s1  }
0x78: {  	s0 =	simm.s32 @!p0 $0x1  }
0x79: {  	_ =	swait.ge @!p0 [sflag:s0], s1  }
0x7a: {  	s1 =	ssub.s32 @!p0 $0x0, s1;
	[sflag:s0] =	ssyncset.done @!p0 $0x0  }
0x7b: {  	[sflag:s0] =	ssyncadd.s32 @!p0 s1  }
0x7c: {  	[bflag:$0x3] =	sbarrier.arrive $0xFFFF  }
0x7d: {  	_ =	shalt  }

</sc_bundles>
